<compile_context>
chip_gen: v7x
topology: tpu7x:2x2x1
jax: 0.10.2.dev20260603
libtpu: 0.0.44.dev20260713+nightly
codegen_flags: <defaults>
</compile_context>

<pallas_src>
import functools

import jax
import jax.numpy as jnp
from jax import lax
from jax.experimental import pallas as pl
from jax.experimental.pallas import tpu as pltpu
from jax.experimental.pallas import tpu_sc as plsc

_MAX_RANGE = 1000
_BATCH = 16384
_NUM_CORES = 2
_NUM_SUBCORES = 16
_NW = _NUM_CORES * _NUM_SUBCORES
_CHUNK = _BATCH // _NW
_NSEG = _CHUNK // 128
_MAGIC = 8388608.0


@functools.partial(
    pl.kernel,
    mesh=plsc.VectorSubcoreMesh(core_axis_name="c", subcore_axis_name="s"),
    out_type=jax.ShapeDtypeStruct((_BATCH,), jnp.float32),
    scratch_types=[
        pltpu.VMEM((_CHUNK,), jnp.float32),
        pltpu.VMEM((_NSEG, 128), jnp.int32),
        pltpu.VMEM((_CHUNK,), jnp.float32),
        pltpu.SemaphoreType.DMA,
    ],
)
def _gather(x_hbm, param_hbm, out_hbm, x_v, idx_v, gat_v, sem):
    wid = lax.axis_index("s") * _NUM_CORES + lax.axis_index("c")
    base = wid * _CHUNK
    pltpu.sync_copy(x_hbm.at[pl.ds(base, _CHUNK)], x_v)
    lane = lax.iota(jnp.int32, 16)
    for j in range(_NSEG):
        for c in range(128 // 16):
            off = j * 128 + c * 16
            xv = x_v[pl.ds(off, 16)]
            xs = xv * float(_MAX_RANGE - 1)
            rounded = (xs + _MAGIC) - _MAGIC
            col = rounded.astype(jnp.int32)
            idx_v[j, pl.ds(c * 16, 16)] = (base + off + lane) * _MAX_RANGE + col
    copies = [
        pltpu.async_copy(param_hbm.at[idx_v.at[j]],
                         gat_v.at[pl.ds(j * 128, 128)], sem)
        for j in range(_NSEG)
    ]
    for cp in copies:
        cp.wait()
    pltpu.sync_copy(gat_v, out_hbm.at[pl.ds(base, _CHUNK)])


def kernel(x, param):
    pflat = param.reshape(_BATCH * _MAX_RANGE)
    out = _gather(x, pflat)
    return out.reshape(_BATCH, 1, 1)

# --- scband reference (transcript-rebuilt; emitter-appended) ---
"""Pipeline reference for scband-eval-convex-18631568130505 (READ-ONLY COPY).

The authoritative reference and input builder live on the scoring server;
editing this copy changes nothing except your own understanding.
"""

import jax, jax.numpy as jnp
import numpy as np

MAX_RANGE = 1000
BATCH = 16384

def setup_inputs(seed: int = 0) -> dict:
    key = jax.random.key(seed)
    k1, k2 = jax.random.split(key)
    x = jax.random.uniform(k1, (BATCH,), dtype=jnp.float32)
    param = jax.random.normal(k2, (BATCH, 1, MAX_RANGE), dtype=jnp.float32)
    return {"x": x, "param": param}

def reference(x, param):
    # x = x * (max_range - 1); round to int; view(-1,1,1); gather along dim 2
    xs = x * (MAX_RANGE - 1)
    idx = jnp.round(xs).astype(jnp.int32).reshape(-1, 1, 1)
    out = jnp.take_along_axis(param, idx, axis=2)
    return out

if __name__ == "__main__":
    import jax
    _d = setup_inputs()
    print(jax.jit(kernel)(*tuple(_d.values())))

</pallas_src>

<mosaic_0001>
#map = affine_map<(d0, d1) -> (0)>
module attributes {stable_mosaic.version = 14 : i64} {
  func.func @_gather(%arg0: i32, %arg1: i32, %arg2: memref<16384xf32, #tpu.memory_space<hbm>>, %arg3: memref<16384000xf32, #tpu.memory_space<hbm>>, %arg4: memref<16384xf32, #tpu.memory_space<hbm>>, %arg5: memref<512xf32, #tpu.memory_space<vmem>>, %arg6: memref<4x128xi32, #tpu.memory_space<vmem>>, %arg7: memref<512xf32, #tpu.memory_space<vmem>>, %arg8: memref<!tpu.dma_semaphore, #tpu.memory_space<semaphore_mem>>) attributes {dimension_semantics = [#tpu.dimension_semantics<core_parallel>, #tpu.dimension_semantics<subcore_parallel>], iteration_bounds = array<i64: 2, 16>, scalar_prefetch = 0 : i64, scratch_operands = 4 : i64, tpu.core_type = #tpu.core_type<sc_vector_subcore>, window_params = [{transform_indices = #map}, {transform_indices = #map}, {transform_indices = #map}]} {
    %mul3A = arith.constant 2 : i32
    %mul3A_0 = arith.muli %arg1, %mul3A : i32
    %add3A = arith.addi %mul3A_0, %arg0 : i32
    %mul3A_1 = arith.constant 512 : i32
    %mul3A_2 = arith.muli %add3A, %mul3A_1 : i32
    "tpu.region"() ({
      %run_scoped3A = tpu.sem_alloc : memref<!tpu.dma_semaphore, #tpu.memory_space<semaphore_mem>>
      %dma_start3A_925 = tpu.memref_slice %arg2[%mul3A_2] : memref<16384xf32, #tpu.memory_space<hbm>> -> memref<512xf32, #tpu.memory_space<hbm>>
      %dma_start3A_926 = tpu.memref_slice %arg2[%mul3A_2] : memref<16384xf32, #tpu.memory_space<hbm>> -> memref<512xf32, #tpu.memory_space<hbm>>
      tpu.enqueue_dma source(%dma_start3A_926 : memref<512xf32, #tpu.memory_space<hbm>>) target(%arg5 : memref<512xf32, #tpu.memory_space<vmem>>) target_semaphore(%run_scoped3A : memref<!tpu.dma_semaphore, #tpu.memory_space<semaphore_mem>>)
      %dma_wait3A_927 = tpu.memref_slice %arg2[%mul3A_2] : memref<16384xf32, #tpu.memory_space<hbm>> -> memref<512xf32, #tpu.memory_space<hbm>>
      %dma_wait3A_928 = tpu.memref_slice %arg2[%mul3A_2] : memref<16384xf32, #tpu.memory_space<hbm>> -> memref<512xf32, #tpu.memory_space<hbm>>
      tpu.wait_dma2 semaphore(%run_scoped3A : memref<!tpu.dma_semaphore, #tpu.memory_space<semaphore_mem>>) src(%dma_wait3A_928 : memref<512xf32, #tpu.memory_space<hbm>>) dst(%arg5 : memref<512xf32, #tpu.memory_space<vmem>>)
      tpu.yield
    }) : () -> ()
    %iota3A = tpu.iota {dimensions = array<i32: 0>} : vector<16xi32>
    %get3A = arith.constant 0 : index
    %get3A_3 = tpu.vector_load %arg5[%get3A] {strides = array<i32>} : memref<512xf32, #tpu.memory_space<vmem>>, vector<16xf32>,
    %get3A_4 = vector.shape_cast %get3A_3 : vector<16xf32> to vector<16xf32>
    %mul3A_5 = arith.constant 9.990000e+02 : f32
    %mul3A_6 = vector.broadcast %mul3A_5 : f32 to vector<16xf32>
    %mul3A_7 = arith.mulf %get3A_4, %mul3A_6 : vector<16xf32>
    %add3A_8 = arith.constant 0x4B000000 : f32
    %add3A_9 = vector.broadcast %add3A_8 : f32 to vector<16xf32>
    %add3A_10 = arith.addf %mul3A_7, %add3A_9 : vector<16xf32>
    %sub3A = arith.constant 0x4B000000 : f32
    %sub3A_11 = vector.broadcast %sub3A : f32 to vector<16xf32>
    %sub3A_12 = arith.subf %add3A_10, %sub3A_11 : vector<16xf32>
    %convert_element_type3A = arith.fptosi %sub3A_12 : vector<16xf32> to vector<16xi32>
    %add3A_13 = arith.constant 0 : i32
    %add3A_14 = arith.addi %mul3A_2, %add3A_13 : i32
    %add3A_15 = vector.broadcast %add3A_14 : i32 to vector<16xi32>
    %add3A_16 = arith.addi %add3A_15, %iota3A : vector<16xi32>
    %mul3A_17 = arith.constant 1000 : i32
    %mul3A_18 = vector.broadcast %mul3A_17 : i32 to vector<16xi32>
    %mul3A_19 = arith.muli %add3A_16, %mul3A_18 : vector<16xi32>
    %add3A_20 = arith.addi %mul3A_19, %convert_element_type3A : vector<16xi32>
    %swap3A = arith.constant 0 : i32
    %swap3A_21 = arith.index_cast %swap3A : i32 to index
    %swap3A_22 = arith.constant 0 : index
    %swap3A_23 = tpu.vector_load %arg6[%swap3A_21, %swap3A_22] {strides = array<i32>} : memref<4x128xi32, #tpu.memory_space<vmem>>, vector<1x16xi32>,
    %swap3A_24 = vector.shape_cast %swap3A_23 : vector<1x16xi32> to vector<16xi32>
    %swap3A_25 = vector.shape_cast %add3A_20 : vector<16xi32> to vector<1x16xi32>
    tpu.vector_store %arg6[%swap3A_21, %swap3A_22], %swap3A_25 {strides = array<i32>} : memref<4x128xi32, #tpu.memory_space<vmem>>, vector<1x16xi32>,
    %get3A_26 = arith.constant 16 : index
    %get3A_27 = tpu.vector_load %arg5[%get3A_26] {strides = array<i32>} : memref<512xf32, #tpu.memory_space<vmem>>, vector<16xf32>,
    %get3A_28 = vector.shape_cast %get3A_27 : vector<16xf32> to vector<16xf32>
    %mul3A_29 = arith.constant 9.990000e+02 : f32
    %mul3A_30 = vector.broadcast %mul3A_29 : f32 to vector<16xf32>
    %mul3A_31 = arith.mulf %get3A_28, %mul3A_30 : vector<16xf32>
    %add3A_32 = arith.constant 0x4B000000 : f32
    %add3A_33 = vector.broadcast %add3A_32 : f32 to vector<16xf32>
    %add3A_34 = arith.addf %mul3A_31, %add3A_33 : vector<16xf32>
    %sub3A_35 = arith.constant 0x4B000000 : f32
    %sub3A_36 = vector.broadcast %sub3A_35 : f32 to vector<16xf32>
    %sub3A_37 = arith.subf %add3A_34, %sub3A_36 : vector<16xf32>
    %convert_element_type3A_38 = arith.fptosi %sub3A_37 : vector<16xf32> to vector<16xi32>
    %add3A_39 = arith.constant 16 : i32
    %add3A_40 = arith.addi %mul3A_2, %add3A_39 : i32
    %add3A_41 = vector.broadcast %add3A_40 : i32 to vector<16xi32>
    %add3A_42 = arith.addi %add3A_41, %iota3A : vector<16xi32>
    %mul3A_43 = arith.constant 1000 : i32
    %mul3A_44 = vector.broadcast %mul3A_43 : i32 to vector<16xi32>
    %mul3A_45 = arith.muli %add3A_42, %mul3A_44 : vector<16xi32>
    %add3A_46 = arith.addi %mul3A_45, %convert_element_type3A_38 : vector<16xi32>
    %swap3A_47 = arith.constant 0 : i32
    %swap3A_48 = arith.index_cast %swap3A_47 : i32 to index
    %swap3A_49 = arith.constant 16 : index
    %swap3A_50 = tpu.vector_load %arg6[%swap3A_48, %swap3A_49] {strides = array<i32>} : memref<4x128xi32, #tpu.memory_space<vmem>>, vector<1x16xi32>,
    %swap3A_51 = vector.shape_cast %swap3A_50 : vector<1x16xi32> to vector<16xi32>
    %swap3A_52 = vector.shape_cast %add3A_46 : vector<16xi32> to vector<1x16xi32>
    tpu.vector_store %arg6[%swap3A_48, %swap3A_49], %swap3A_52 {strides = array<i32>} : memref<4x128xi32, #tpu.memory_space<vmem>>, vector<1x16xi32>,
    %get3A_53 = arith.constant 32 : index
    %get3A_54 = tpu.vector_load %arg5[%get3A_53] {strides = array<i32>} : memref<512xf32, #tpu.memory_space<vmem>>, vector<16xf32>,
    %get3A_55 = vector.shape_cast %get3A_54 : vector<16xf32> to vector<16xf32>
    %mul3A_56 = arith.constant 9.990000e+02 : f32
    %mul3A_57 = vector.broadcast %mul3A_56 : f32 to vector<16xf32>
    %mul3A_58 = arith.mulf %get3A_55, %mul3A_57 : vector<16xf32>
    %add3A_59 = arith.constant 0x4B000000 : f32
    %add3A_60 = vector.broadcast %add3A_59 : f32 to vector<16xf32>
    %add3A_61 = arith.addf %mul3A_58, %add3A_60 : vector<16xf32>
    %sub3A_62 = arith.constant 0x4B000000 : f32
    %sub3A_63 = vector.broadcast %sub3A_62 : f32 to vector<16xf32>
    %sub3A_64 = arith.subf %add3A_61, %sub3A_63 : vector<16xf32>
    %convert_element_type3A_65 = arith.fptosi %sub3A_64 : vector<16xf32> to vector<16xi32>
    %add3A_66 = arith.constant 32 : i32
    %add3A_67 = arith.addi %mul3A_2, %add3A_66 : i32
    %add3A_68 = vector.broadcast %add3A_67 : i32 to vector<16xi32>
    %add3A_69 = arith.addi %add3A_68, %iota3A : vector<16xi32>
    %mul3A_70 = arith.constant 1000 : i32
    %mul3A_71 = vector.broadcast %mul3A_70 : i32 to vector<16xi32>
    %mul3A_72 = arith.muli %add3A_69, %mul3A_71 : vector<16xi32>
    %add3A_73 = arith.addi %mul3A_72, %convert_element_type3A_65 : vector<16xi32>
    %swap3A_74 = arith.constant 0 : i32
    %swap3A_75 = arith.index_cast %swap3A_74 : i32 to index
    %swap3A_76 = arith.constant 32 : index
    %swap3A_77 = tpu.vector_load %arg6[%swap3A_75, %swap3A_76] {strides = array<i32>} : memref<4x128xi32, #tpu.memory_space<vmem>>, vector<1x16xi32>,
    %swap3A_78 = vector.shape_cast %swap3A_77 : vector<1x16xi32> to vector<16xi32>
    %swap3A_79 = vector.shape_cast %add3A_73 : vector<16xi32> to vector<1x16xi32>
    tpu.vector_store %arg6[%swap3A_75, %swap3A_76], %swap3A_79 {strides = array<i32>} : memref<4x128xi32, #tpu.memory_space<vmem>>, vector<1x16xi32>,
    %get3A_80 = arith.constant 48 : index
    %get3A_81 = tpu.vector_load %arg5[%get3A_80] {strides = array<i32>} : memref<512xf32, #tpu.memory_space<vmem>>, vector<16xf32>,
    %get3A_82 = vector.shape_cast %get3A_81 : vector<16xf32> to vector<16xf32>
    %mul3A_83 = arith.constant 9.990000e+02 : f32
    %mul3A_84 = vector.broadcast %mul3A_83 : f32 to vector<16xf32>
    %mul3A_85 = arith.mulf %get3A_82, %mul3A_84 : vector<16xf32>
    %add3A_86 = arith.constant 0x4B000000 : f32
    %add3A_87 = vector.broadcast %add3A_86 : f32 to vector<16xf32>
    %add3A_88 = arith.addf %mul3A_85, %add3A_87 : vector<16xf32>
    %sub3A_89 = arith.constant 0x4B000000 : f32
    %sub3A_90 = vector.broadcast %sub3A_89 : f32 to vector<16xf32>
    %sub3A_91 = arith.subf %add3A_88, %sub3A_90 : vector<16xf32>
    %convert_element_type3A_92 = arith.fptosi %sub3A_91 : vector<16xf32> to vector<16xi32>
    %add3A_93 = arith.constant 48 : i32
    %add3A_94 = arith.addi %mul3A_2, %add3A_93 : i32
    %add3A_95 = vector.broadcast %add3A_94 : i32 to vector<16xi32>
    %add3A_96 = arith.addi %add3A_95, %iota3A : vector<16xi32>
    %mul3A_97 = arith.constant 1000 : i32
    %mul3A_98 = vector.broadcast %mul3A_97 : i32 to vector<16xi32>
    %mul3A_99 = arith.muli %add3A_96, %mul3A_98 : vector<16xi32>
    %add3A_100 = arith.addi %mul3A_99, %convert_element_type3A_92 : vector<16xi32>
    %swap3A_101 = arith.constant 0 : i32
    %swap3A_102 = arith.index_cast %swap3A_101 : i32 to index
    %swap3A_103 = arith.constant 48 : index
    %swap3A_104 = tpu.vector_load %arg6[%swap3A_102, %swap3A_103] {strides = array<i32>} : memref<4x128xi32, #tpu.memory_space<vmem>>, vector<1x16xi32>,
    %swap3A_105 = vector.shape_cast %swap3A_104 : vector<1x16xi32> to vector<16xi32>
    %swap3A_106 = vector.shape_cast %add3A_100 : vector<16xi32> to vector<1x16xi32>
    tpu.vector_store %arg6[%swap3A_102, %swap3A_103], %swap3A_106 {strides = array<i32>} : memref<4x128xi32, #tpu.memory_space<vmem>>, vector<1x16xi32>,
    %get3A_107 = arith.constant 64 : index
    %get3A_108 = tpu.vector_load %arg5[%get3A_107] {strides = array<i32>} : memref<512xf32, #tpu.memory_space<vmem>>, vector<16xf32>,
    %get3A_109 = vector.shape_cast %get3A_108 : vector<16xf32> to vector<16xf32>
    %mul3A_110 = arith.constant 9.990000e+02 : f32
    %mul3A_111 = vector.broadcast %mul3A_110 : f32 to vector<16xf32>
    %mul3A_112 = arith.mulf %get3A_109, %mul3A_111 : vector<16xf32>
    %add3A_113 = arith.constant 0x4B000000 : f32
    %add3A_114 = vector.broadcast %add3A_113 : f32 to vector<16xf32>
    %add3A_115 = arith.addf %mul3A_112, %add3A_114 : vector<16xf32>
    %sub3A_116 = arith.constant 0x4B000000 : f32
    %sub3A_117 = vector.broadcast %sub3A_116 : f32 to vector<16xf32>
    %sub3A_118 = arith.subf %add3A_115, %sub3A_117 : vector<16xf32>
    %convert_element_type3A_119 = arith.fptosi %sub3A_118 : vector<16xf32> to vector<16xi32>
    %add3A_120 = arith.constant 64 : i32
    %add3A_121 = arith.addi %mul3A_2, %add3A_120 : i32
    %add3A_122 = vector.broadcast %add3A_121 : i32 to vector<16xi32>
    %add3A_123 = arith.addi %add3A_122, %iota3A : vector<16xi32>
    %mul3A_124 = arith.constant 1000 : i32
    %mul3A_125 = vector.broadcast %mul3A_124 : i32 to vector<16xi32>
    %mul3A_126 = arith.muli %add3A_123, %mul3A_125 : vector<16xi32>
    %add3A_127 = arith.addi %mul3A_126, %convert_element_type3A_119 : vector<16xi32>
    %swap3A_128 = arith.constant 0 : i32
    %swap3A_129 = arith.index_cast %swap3A_128 : i32 to index
    %swap3A_130 = arith.constant 64 : index
    %swap3A_131 = tpu.vector_load %arg6[%swap3A_129, %swap3A_130] {strides = array<i32>} : memref<4x128xi32, #tpu.memory_space<vmem>>, vector<1x16xi32>,
    %swap3A_132 = vector.shape_cast %swap3A_131 : vector<1x16xi32> to vector<16xi32>
    %swap3A_133 = vector.shape_cast %add3A_127 : vector<16xi32> to vector<1x16xi32>
    tpu.vector_store %arg6[%swap3A_129, %swap3A_130], %swap3A_133 {strides = array<i32>} : memref<4x128xi32, #tpu.memory_space<vmem>>, vector<1x16xi32>,
    %get3A_134 = arith.constant 80 : index
    %get3A_135 = tpu.vector_load %arg5[%get3A_134] {strides = array<i32>} : memref<512xf32, #tpu.memory_space<vmem>>, vector<16xf32>,
    %get3A_136 = vector.shape_cast %get3A_135 : vector<16xf32> to vector<16xf32>
    %mul3A_137 = arith.constant 9.990000e+02 : f32
    %mul3A_138 = vector.broadcast %mul3A_137 : f32 to vector<16xf32>
    %mul3A_139 = arith.mulf %get3A_136, %mul3A_138 : vector<16xf32>
    %add3A_140 = arith.constant 0x4B000000 : f32
    %add3A_141 = vector.broadcast %add3A_140 : f32 to vector<16xf32>
    %add3A_142 = arith.addf %mul3A_139, %add3A_141 : vector<16xf32>
    %sub3A_143 = arith.constant 0x4B000000 : f32
    %sub3A_144 = vector.broadcast %sub3A_143 : f32 to vector<16xf32>
    %sub3A_145 = arith.subf %add3A_142, %sub3A_144 : vector<16xf32>
    %convert_element_type3A_146 = arith.fptosi %sub3A_145 : vector<16xf32> to vector<16xi32>
    %add3A_147 = arith.constant 80 : i32
    %add3A_148 = arith.addi %mul3A_2, %add3A_147 : i32
    %add3A_149 = vector.broadcast %add3A_148 : i32 to vector<16xi32>
    %add3A_150 = arith.addi %add3A_149, %iota3A : vector<16xi32>
    %mul3A_151 = arith.constant 1000 : i32
    %mul3A_152 = vector.broadcast %mul3A_151 : i32 to vector<16xi32>
    %mul3A_153 = arith.muli %add3A_150, %mul3A_152 : vector<16xi32>
    %add3A_154 = arith.addi %mul3A_153, %convert_element_type3A_146 : vector<16xi32>
    %swap3A_155 = arith.constant 0 : i32
    %swap3A_156 = arith.index_cast %swap3A_155 : i32 to index
    %swap3A_157 = arith.constant 80 : index
    %swap3A_158 = tpu.vector_load %arg6[%swap3A_156, %swap3A_157] {strides = array<i32>} : memref<4x128xi32, #tpu.memory_space<vmem>>, vector<1x16xi32>,
    %swap3A_159 = vector.shape_cast %swap3A_158 : vector<1x16xi32> to vector<16xi32>
    %swap3A_160 = vector.shape_cast %add3A_154 : vector<16xi32> to vector<1x16xi32>
    tpu.vector_store %arg6[%swap3A_156, %swap3A_157], %swap3A_160 {strides = array<i32>} : memref<4x128xi32, #tpu.memory_space<vmem>>, vector<1x16xi32>,
    %get3A_161 = arith.constant 96 : index
    %get3A_162 = tpu.vector_load %arg5[%get3A_161] {strides = array<i32>} : memref<512xf32, #tpu.memory_space<vmem>>, vector<16xf32>,
    %get3A_163 = vector.shape_cast %get3A_162 : vector<16xf32> to vector<16xf32>
    %mul3A_164 = arith.constant 9.990000e+02 : f32
    %mul3A_165 = vector.broadcast %mul3A_164 : f32 to vector<16xf32>
    %mul3A_166 = arith.mulf %get3A_163, %mul3A_165 : vector<16xf32>
    %add3A_167 = arith.constant 0x4B000000 : f32
    %add3A_168 = vector.broadcast %add3A_167 : f32 to vector<16xf32>
    %add3A_169 = arith.addf %mul3A_166, %add3A_168 : vector<16xf32>
    %sub3A_170 = arith.constant 0x4B000000 : f32
    %sub3A_171 = vector.broadcast %sub3A_170 : f32 to vector<16xf32>
    %sub3A_172 = arith.subf %add3A_169, %sub3A_171 : vector<16xf32>
    %convert_element_type3A_173 = arith.fptosi %sub3A_172 : vector<16xf32> to vector<16xi32>
    %add3A_174 = arith.constant 96 : i32
    %add3A_175 = arith.addi %mul3A_2, %add3A_174 : i32
    %add3A_176 = vector.broadcast %add3A_175 : i32 to vector<16xi32>
    %add3A_177 = arith.addi %add3A_176, %iota3A : vector<16xi32>
    %mul3A_178 = arith.constant 1000 : i32
    %mul3A_179 = vector.broadcast %mul3A_178 : i32 to vector<16xi32>
    %mul3A_180 = arith.muli %add3A_177, %mul3A_179 : vector<16xi32>
    %add3A_181 = arith.addi %mul3A_180, %convert_element_type3A_173 : vector<16xi32>
    %swap3A_182 = arith.constant 0 : i32
    %swap3A_183 = arith.index_cast %swap3A_182 : i32 to index
    %swap3A_184 = arith.constant 96 : index
    %swap3A_185 = tpu.vector_load %arg6[%swap3A_183, %swap3A_184] {strides = array<i32>} : memref<4x128xi32, #tpu.memory_space<vmem>>, vector<1x16xi32>,
    %swap3A_186 = vector.shape_cast %swap3A_185 : vector<1x16xi32> to vector<16xi32>
    %swap3A_187 = vector.shape_cast %add3A_181 : vector<16xi32> to vector<1x16xi32>
    tpu.vector_store %arg6[%swap3A_183, %swap3A_184], %swap3A_187 {strides = array<i32>} : memref<4x128xi32, #tpu.memory_space<vmem>>, vector<1x16xi32>,
    %get3A_188 = arith.constant 112 : index
    %get3A_189 = tpu.vector_load %arg5[%get3A_188] {strides = array<i32>} : memref<512xf32, #tpu.memory_space<vmem>>, vector<16xf32>,
    %get3A_190 = vector.shape_cast %get3A_189 : vector<16xf32> to vector<16xf32>
    %mul3A_191 = arith.constant 9.990000e+02 : f32
    %mul3A_192 = vector.broadcast %mul3A_191 : f32 to vector<16xf32>
    %mul3A_193 = arith.mulf %get3A_190, %mul3A_192 : vector<16xf32>
    %add3A_194 = arith.constant 0x4B000000 : f32
    %add3A_195 = vector.broadcast %add3A_194 : f32 to vector<16xf32>
    %add3A_196 = arith.addf %mul3A_193, %add3A_195 : vector<16xf32>
    %sub3A_197 = arith.constant 0x4B000000 : f32
    %sub3A_198 = vector.broadcast %sub3A_197 : f32 to vector<16xf32>
    %sub3A_199 = arith.subf %add3A_196, %sub3A_198 : vector<16xf32>
    %convert_element_type3A_200 = arith.fptosi %sub3A_199 : vector<16xf32> to vector<16xi32>
    %add3A_201 = arith.constant 112 : i32
    %add3A_202 = arith.addi %mul3A_2, %add3A_201 : i32
    %add3A_203 = vector.broadcast %add3A_202 : i32 to vector<16xi32>
    %add3A_204 = arith.addi %add3A_203, %iota3A : vector<16xi32>
    %mul3A_205 = arith.constant 1000 : i32
    %mul3A_206 = vector.broadcast %mul3A_205 : i32 to vector<16xi32>
    %mul3A_207 = arith.muli %add3A_204, %mul3A_206 : vector<16xi32>
    %add3A_208 = arith.addi %mul3A_207, %convert_element_type3A_200 : vector<16xi32>
    %swap3A_209 = arith.constant 0 : i32
    %swap3A_210 = arith.index_cast %swap3A_209 : i32 to index
    %swap3A_211 = arith.constant 112 : index
    %swap3A_212 = tpu.vector_load %arg6[%swap3A_210, %swap3A_211] {strides = array<i32>} : memref<4x128xi32, #tpu.memory_space<vmem>>, vector<1x16xi32>,
    %swap3A_213 = vector.shape_cast %swap3A_212 : vector<1x16xi32> to vector<16xi32>
    %swap3A_214 = vector.shape_cast %add3A_208 : vector<16xi32> to vector<1x16xi32>
    tpu.vector_store %arg6[%swap3A_210, %swap3A_211], %swap3A_214 {strides = array<i32>} : memref<4x128xi32, #tpu.memory_space<vmem>>, vector<1x16xi32>,
    %get3A_215 = arith.constant 128 : index
    %get3A_216 = tpu.vector_load %arg5[%get3A_215] {strides = array<i32>} : memref<512xf32, #tpu.memory_space<vmem>>, vector<16xf32>,
    %get3A_217 = vector.shape_cast %get3A_216 : vector<16xf32> to vector<16xf32>
    %mul3A_218 = arith.constant 9.990000e+02 : f32
    %mul3A_219 = vector.broadcast %mul3A_218 : f32 to vector<16xf32>
    %mul3A_220 = arith.mulf %get3A_217, %mul3A_219 : vector<16xf32>
    %add3A_221 = arith.constant 0x4B000000 : f32
    %add3A_222 = vector.broadcast %add3A_221 : f32 to vector<16xf32>
    %add3A_223 = arith.addf %mul3A_220, %add3A_222 : vector<16xf32>
    %sub3A_224 = arith.constant 0x4B000000 : f32
    %sub3A_225 = vector.broadcast %sub3A_224 : f32 to vector<16xf32>
    %sub3A_226 = arith.subf %add3A_223, %sub3A_225 : vector<16xf32>
    %convert_element_type3A_227 = arith.fptosi %sub3A_226 : vector<16xf32> to vector<16xi32>
    %add3A_228 = arith.constant 128 : i32
    %add3A_229 = arith.addi %mul3A_2, %add3A_228 : i32
    %add3A_230 = vector.broadcast %add3A_229 : i32 to vector<16xi32>
    %add3A_231 = arith.addi %add3A_230, %iota3A : vector<16xi32>
    %mul3A_232 = arith.constant 1000 : i32
    %mul3A_233 = vector.broadcast %mul3A_232 : i32 to vector<16xi32>
    %mul3A_234 = arith.muli %add3A_231, %mul3A_233 : vector<16xi32>
    %add3A_235 = arith.addi %mul3A_234, %convert_element_type3A_227 : vector<16xi32>
    %swap3A_236 = arith.constant 1 : i32
    %swap3A_237 = arith.index_cast %swap3A_236 : i32 to index
    %swap3A_238 = arith.constant 0 : index
    %swap3A_239 = tpu.vector_load %arg6[%swap3A_237, %swap3A_238] {strides = array<i32>} : memref<4x128xi32, #tpu.memory_space<vmem>>, vector<1x16xi32>,
    %swap3A_240 = vector.shape_cast %swap3A_239 : vector<1x16xi32> to vector<16xi32>
    %swap3A_241 = vector.shape_cast %add3A_235 : vector<16xi32> to vector<1x16xi32>
    tpu.vector_store %arg6[%swap3A_237, %swap3A_238], %swap3A_241 {strides = array<i32>} : memref<4x128xi32, #tpu.memory_space<vmem>>, vector<1x16xi32>,
    %get3A_242 = arith.constant 144 : index
    %get3A_243 = tpu.vector_load %arg5[%get3A_242] {strides = array<i32>} : memref<512xf32, #tpu.memory_space<vmem>>, vector<16xf32>,
    %get3A_244 = vector.shape_cast %get3A_243 : vector<16xf32> to vector<16xf32>
    %mul3A_245 = arith.constant 9.990000e+02 : f32
    %mul3A_246 = vector.broadcast %mul3A_245 : f32 to vector<16xf32>
    %mul3A_247 = arith.mulf %get3A_244, %mul3A_246 : vector<16xf32>
    %add3A_248 = arith.constant 0x4B000000 : f32
    %add3A_249 = vector.broadcast %add3A_248 : f32 to vector<16xf32>
    %add3A_250 = arith.addf %mul3A_247, %add3A_249 : vector<16xf32>
    %sub3A_251 = arith.constant 0x4B000000 : f32
    %sub3A_252 = vector.broadcast %sub3A_251 : f32 to vector<16xf32>
    %sub3A_253 = arith.subf %add3A_250, %sub3A_252 : vector<16xf32>
    %convert_element_type3A_254 = arith.fptosi %sub3A_253 : vector<16xf32> to vector<16xi32>
    %add3A_255 = arith.constant 144 : i32
    %add3A_256 = arith.addi %mul3A_2, %add3A_255 : i32
    %add3A_257 = vector.broadcast %add3A_256 : i32 to vector<16xi32>
    %add3A_258 = arith.addi %add3A_257, %iota3A : vector<16xi32>
    %mul3A_259 = arith.constant 1000 : i32
    %mul3A_260 = vector.broadcast %mul3A_259 : i32 to vector<16xi32>
    %mul3A_261 = arith.muli %add3A_258, %mul3A_260 : vector<16xi32>
    %add3A_262 = arith.addi %mul3A_261, %convert_element_type3A_254 : vector<16xi32>
    %swap3A_263 = arith.constant 1 : i32
    %swap3A_264 = arith.index_cast %swap3A_263 : i32 to index
    %swap3A_265 = arith.constant 16 : index
    %swap3A_266 = tpu.vector_load %arg6[%swap3A_264, %swap3A_265] {strides = array<i32>} : memref<4x128xi32, #tpu.memory_space<vmem>>, vector<1x16xi32>,
    %swap3A_267 = vector.shape_cast %swap3A_266 : vector<1x16xi32> to vector<16xi32>
    %swap3A_268 = vector.shape_cast %add3A_262 : vector<16xi32> to vector<1x16xi32>
    tpu.vector_store %arg6[%swap3A_264, %swap3A_265], %swap3A_268 {strides = array<i32>} : memref<4x128xi32, #tpu.memory_space<vmem>>, vector<1x16xi32>,
    %get3A_269 = arith.constant 160 : index
    %get3A_270 = tpu.vector_load %arg5[%get3A_269] {strides = array<i32>} : memref<512xf32, #tpu.memory_space<vmem>>, vector<16xf32>,
    %get3A_271 = vector.shape_cast %get3A_270 : vector<16xf32> to vector<16xf32>
    %mul3A_272 = arith.constant 9.990000e+02 : f32
    %mul3A_273 = vector.broadcast %mul3A_272 : f32 to vector<16xf32>
    %mul3A_274 = arith.mulf %get3A_271, %mul3A_273 : vector<16xf32>
    %add3A_275 = arith.constant 0x4B000000 : f32
    %add3A_276 = vector.broadcast %add3A_275 : f32 to vector<16xf32>
    %add3A_277 = arith.addf %mul3A_274, %add3A_276 : vector<16xf32>
    %sub3A_278 = arith.constant 0x4B000000 : f32
    %sub3A_279 = vector.broadcast %sub3A_278 : f32 to vector<16xf32>
    %sub3A_280 = arith.subf %add3A_277, %sub3A_279 : vector<16xf32>
    %convert_element_type3A_281 = arith.fptosi %sub3A_280 : vector<16xf32> to vector<16xi32>
    %add3A_282 = arith.constant 160 : i32
    %add3A_283 = arith.addi %mul3A_2, %add3A_282 : i32
    %add3A_284 = vector.broadcast %add3A_283 : i32 to vector<16xi32>
    %add3A_285 = arith.addi %add3A_284, %iota3A : vector<16xi32>
    %mul3A_286 = arith.constant 1000 : i32
    %mul3A_287 = vector.broadcast %mul3A_286 : i32 to vector<16xi32>
    %mul3A_288 = arith.muli %add3A_285, %mul3A_287 : vector<16xi32>
    %add3A_289 = arith.addi %mul3A_288, %convert_element_type3A_281 : vector<16xi32>
    %swap3A_290 = arith.constant 1 : i32
    %swap3A_291 = arith.index_cast %swap3A_290 : i32 to index
    %swap3A_292 = arith.constant 32 : index
    %swap3A_293 = tpu.vector_load %arg6[%swap3A_291, %swap3A_292] {strides = array<i32>} : memref<4x128xi32, #tpu.memory_space<vmem>>, vector<1x16xi32>,
    %swap3A_294 = vector.shape_cast %swap3A_293 : vector<1x16xi32> to vector<16xi32>
    %swap3A_295 = vector.shape_cast %add3A_289 : vector<16xi32> to vector<1x16xi32>
    tpu.vector_store %arg6[%swap3A_291, %swap3A_292], %swap3A_295 {strides = array<i32>} : memref<4x128xi32, #tpu.memory_space<vmem>>, vector<1x16xi32>,
    %get3A_296 = arith.constant 176 : index
    %get3A_297 = tpu.vector_load %arg5[%get3A_296] {strides = array<i32>} : memref<512xf32, #tpu.memory_space<vmem>>, vector<16xf32>,
    %get3A_298 = vector.shape_cast %get3A_297 : vector<16xf32> to vector<16xf32>
    %mul3A_299 = arith.constant 9.990000e+02 : f32
    %mul3A_300 = vector.broadcast %mul3A_299 : f32 to vector<16xf32>
    %mul3A_301 = arith.mulf %get3A_298, %mul3A_300 : vector<16xf32>
    %add3A_302 = arith.constant 0x4B000000 : f32
    %add3A_303 = vector.broadcast %add3A_302 : f32 to vector<16xf32>
    %add3A_304 = arith.addf %mul3A_301, %add3A_303 : vector<16xf32>
    %sub3A_305 = arith.constant 0x4B000000 : f32
    %sub3A_306 = vector.broadcast %sub3A_305 : f32 to vector<16xf32>
    %sub3A_307 = arith.subf %add3A_304, %sub3A_306 : vector<16xf32>
    %convert_element_type3A_308 = arith.fptosi %sub3A_307 : vector<16xf32> to vector<16xi32>
    %add3A_309 = arith.constant 176 : i32
    %add3A_310 = arith.addi %mul3A_2, %add3A_309 : i32
    %add3A_311 = vector.broadcast %add3A_310 : i32 to vector<16xi32>
    %add3A_312 = arith.addi %add3A_311, %iota3A : vector<16xi32>
    %mul3A_313 = arith.constant 1000 : i32
    %mul3A_314 = vector.broadcast %mul3A_313 : i32 to vector<16xi32>
    %mul3A_315 = arith.muli %add3A_312, %mul3A_314 : vector<16xi32>
    %add3A_316 = arith.addi %mul3A_315, %convert_element_type3A_308 : vector<16xi32>
    %swap3A_317 = arith.constant 1 : i32
    %swap3A_318 = arith.index_cast %swap3A_317 : i32 to index
    %swap3A_319 = arith.constant 48 : index
    %swap3A_320 = tpu.vector_load %arg6[%swap3A_318, %swap3A_319] {strides = array<i32>} : memref<4x128xi32, #tpu.memory_space<vmem>>, vector<1x16xi32>,
    %swap3A_321 = vector.shape_cast %swap3A_320 : vector<1x16xi32> to vector<16xi32>
    %swap3A_322 = vector.shape_cast %add3A_316 : vector<16xi32> to vector<1x16xi32>
    tpu.vector_store %arg6[%swap3A_318, %swap3A_319], %swap3A_322 {strides = array<i32>} : memref<4x128xi32, #tpu.memory_space<vmem>>, vector<1x16xi32>,
    %get3A_323 = arith.constant 192 : index
    %get3A_324 = tpu.vector_load %arg5[%get3A_323] {strides = array<i32>} : memref<512xf32, #tpu.memory_space<vmem>>, vector<16xf32>,
    %get3A_325 = vector.shape_cast %get3A_324 : vector<16xf32> to vector<16xf32>
    %mul3A_326 = arith.constant 9.990000e+02 : f32
    %mul3A_327 = vector.broadcast %mul3A_326 : f32 to vector<16xf32>
    %mul3A_328 = arith.mulf %get3A_325, %mul3A_327 : vector<16xf32>
    %add3A_329 = arith.constant 0x4B000000 : f32
    %add3A_330 = vector.broadcast %add3A_329 : f32 to vector<16xf32>
    %add3A_331 = arith.addf %mul3A_328, %add3A_330 : vector<16xf32>
    %sub3A_332 = arith.constant 0x4B000000 : f32
    %sub3A_333 = vector.broadcast %sub3A_332 : f32 to vector<16xf32>
    %sub3A_334 = arith.subf %add3A_331, %sub3A_333 : vector<16xf32>
    %convert_element_type3A_335 = arith.fptosi %sub3A_334 : vector<16xf32> to vector<16xi32>
    %add3A_336 = arith.constant 192 : i32
    %add3A_337 = arith.addi %mul3A_2, %add3A_336 : i32
    %add3A_338 = vector.broadcast %add3A_337 : i32 to vector<16xi32>
    %add3A_339 = arith.addi %add3A_338, %iota3A : vector<16xi32>
    %mul3A_340 = arith.constant 1000 : i32
    %mul3A_341 = vector.broadcast %mul3A_340 : i32 to vector<16xi32>
    %mul3A_342 = arith.muli %add3A_339, %mul3A_341 : vector<16xi32>
    %add3A_343 = arith.addi %mul3A_342, %convert_element_type3A_335 : vector<16xi32>
    %swap3A_344 = arith.constant 1 : i32
    %swap3A_345 = arith.index_cast %swap3A_344 : i32 to index
    %swap3A_346 = arith.constant 64 : index
    %swap3A_347 = tpu.vector_load %arg6[%swap3A_345, %swap3A_346] {strides = array<i32>} : memref<4x128xi32, #tpu.memory_space<vmem>>, vector<1x16xi32>,
    %swap3A_348 = vector.shape_cast %swap3A_347 : vector<1x16xi32> to vector<16xi32>
    %swap3A_349 = vector.shape_cast %add3A_343 : vector<16xi32> to vector<1x16xi32>
    tpu.vector_store %arg6[%swap3A_345, %swap3A_346], %swap3A_349 {strides = array<i32>} : memref<4x128xi32, #tpu.memory_space<vmem>>, vector<1x16xi32>,
    %get3A_350 = arith.constant 208 : index
    %get3A_351 = tpu.vector_load %arg5[%get3A_350] {strides = array<i32>} : memref<512xf32, #tpu.memory_space<vmem>>, vector<16xf32>,
    %get3A_352 = vector.shape_cast %get3A_351 : vector<16xf32> to vector<16xf32>
    %mul3A_353 = arith.constant 9.990000e+02 : f32
    %mul3A_354 = vector.broadcast %mul3A_353 : f32 to vector<16xf32>
    %mul3A_355 = arith.mulf %get3A_352, %mul3A_354 : vector<16xf32>
    %add3A_356 = arith.constant 0x4B000000 : f32
    %add3A_357 = vector.broadcast %add3A_356 : f32 to vector<16xf32>
    %add3A_358 = arith.addf %mul3A_355, %add3A_357 : vector<16xf32>
    %sub3A_359 = arith.constant 0x4B000000 : f32
    %sub3A_360 = vector.broadcast %sub3A_359 : f32 to vector<16xf32>
    %sub3A_361 = arith.subf %add3A_358, %sub3A_360 : vector<16xf32>
    %convert_element_type3A_362 = arith.fptosi %sub3A_361 : vector<16xf32> to vector<16xi32>
    %add3A_363 = arith.constant 208 : i32
    %add3A_364 = arith.addi %mul3A_2, %add3A_363 : i32
    %add3A_365 = vector.broadcast %add3A_364 : i32 to vector<16xi32>
    %add3A_366 = arith.addi %add3A_365, %iota3A : vector<16xi32>
    %mul3A_367 = arith.constant 1000 : i32
    %mul3A_368 = vector.broadcast %mul3A_367 : i32 to vector<16xi32>
    %mul3A_369 = arith.muli %add3A_366, %mul3A_368 : vector<16xi32>
    %add3A_370 = arith.addi %mul3A_369, %convert_element_type3A_362 : vector<16xi32>
    %swap3A_371 = arith.constant 1 : i32
    %swap3A_372 = arith.index_cast %swap3A_371 : i32 to index
    %swap3A_373 = arith.constant 80 : index
    %swap3A_374 = tpu.vector_load %arg6[%swap3A_372, %swap3A_373] {strides = array<i32>} : memref<4x128xi32, #tpu.memory_space<vmem>>, vector<1x16xi32>,
    %swap3A_375 = vector.shape_cast %swap3A_374 : vector<1x16xi32> to vector<16xi32>
    %swap3A_376 = vector.shape_cast %add3A_370 : vector<16xi32> to vector<1x16xi32>
    tpu.vector_store %arg6[%swap3A_372, %swap3A_373], %swap3A_376 {strides = array<i32>} : memref<4x128xi32, #tpu.memory_space<vmem>>, vector<1x16xi32>,
    %get3A_377 = arith.constant 224 : index
    %get3A_378 = tpu.vector_load %arg5[%get3A_377] {strides = array<i32>} : memref<512xf32, #tpu.memory_space<vmem>>, vector<16xf32>,
    %get3A_379 = vector.shape_cast %get3A_378 : vector<16xf32> to vector<16xf32>
    %mul3A_380 = arith.constant 9.990000e+02 : f32
    %mul3A_381 = vector.broadcast %mul3A_380 : f32 to vector<16xf32>
    %mul3A_382 = arith.mulf %get3A_379, %mul3A_381 : vector<16xf32>
    %add3A_383 = arith.constant 0x4B000000 : f32
    %add3A_384 = vector.broadcast %add3A_383 : f32 to vector<16xf32>
    %add3A_385 = arith.addf %mul3A_382, %add3A_384 : vector<16xf32>
    %sub3A_386 = arith.constant 0x4B000000 : f32
    %sub3A_387 = vector.broadcast %sub3A_386 : f32 to vector<16xf32>
    %sub3A_388 = arith.subf %add3A_385, %sub3A_387 : vector<16xf32>
    %convert_element_type3A_389 = arith.fptosi %sub3A_388 : vector<16xf32> to vector<16xi32>
    %add3A_390 = arith.constant 224 : i32
    %add3A_391 = arith.addi %mul3A_2, %add3A_390 : i32
    %add3A_392 = vector.broadcast %add3A_391 : i32 to vector<16xi32>
    %add3A_393 = arith.addi %add3A_392, %iota3A : vector<16xi32>
    %mul3A_394 = arith.constant 1000 : i32
    %mul3A_395 = vector.broadcast %mul3A_394 : i32 to vector<16xi32>
    %mul3A_396 = arith.muli %add3A_393, %mul3A_395 : vector<16xi32>
    %add3A_397 = arith.addi %mul3A_396, %convert_element_type3A_389 : vector<16xi32>
    %swap3A_398 = arith.constant 1 : i32
    %swap3A_399 = arith.index_cast %swap3A_398 : i32 to index
    %swap3A_400 = arith.constant 96 : index
    %swap3A_401 = tpu.vector_load %arg6[%swap3A_399, %swap3A_400] {strides = array<i32>} : memref<4x128xi32, #tpu.memory_space<vmem>>, vector<1x16xi32>,
    %swap3A_402 = vector.shape_cast %swap3A_401 : vector<1x16xi32> to vector<16xi32>
    %swap3A_403 = vector.shape_cast %add3A_397 : vector<16xi32> to vector<1x16xi32>
    tpu.vector_store %arg6[%swap3A_399, %swap3A_400], %swap3A_403 {strides = array<i32>} : memref<4x128xi32, #tpu.memory_space<vmem>>, vector<1x16xi32>,
    %get3A_404 = arith.constant 240 : index
    %get3A_405 = tpu.vector_load %arg5[%get3A_404] {strides = array<i32>} : memref<512xf32, #tpu.memory_space<vmem>>, vector<16xf32>,
    %get3A_406 = vector.shape_cast %get3A_405 : vector<16xf32> to vector<16xf32>
    %mul3A_407 = arith.constant 9.990000e+02 : f32
    %mul3A_408 = vector.broadcast %mul3A_407 : f32 to vector<16xf32>
    %mul3A_409 = arith.mulf %get3A_406, %mul3A_408 : vector<16xf32>
    %add3A_410 = arith.constant 0x4B000000 : f32
    %add3A_411 = vector.broadcast %add3A_410 : f32 to vector<16xf32>
    %add3A_412 = arith.addf %mul3A_409, %add3A_411 : vector<16xf32>
    %sub3A_413 = arith.constant 0x4B000000 : f32
    %sub3A_414 = vector.broadcast %sub3A_413 : f32 to vector<16xf32>
    %sub3A_415 = arith.subf %add3A_412, %sub3A_414 : vector<16xf32>
    %convert_element_type3A_416 = arith.fptosi %sub3A_415 : vector<16xf32> to vector<16xi32>
    %add3A_417 = arith.constant 240 : i32
    %add3A_418 = arith.addi %mul3A_2, %add3A_417 : i32
    %add3A_419 = vector.broadcast %add3A_418 : i32 to vector<16xi32>
    %add3A_420 = arith.addi %add3A_419, %iota3A : vector<16xi32>
    %mul3A_421 = arith.constant 1000 : i32
    %mul3A_422 = vector.broadcast %mul3A_421 : i32 to vector<16xi32>
    %mul3A_423 = arith.muli %add3A_420, %mul3A_422 : vector<16xi32>
    %add3A_424 = arith.addi %mul3A_423, %convert_element_type3A_416 : vector<16xi32>
    %swap3A_425 = arith.constant 1 : i32
    %swap3A_426 = arith.index_cast %swap3A_425 : i32 to index
    %swap3A_427 = arith.constant 112 : index
    %swap3A_428 = tpu.vector_load %arg6[%swap3A_426, %swap3A_427] {strides = array<i32>} : memref<4x128xi32, #tpu.memory_space<vmem>>, vector<1x16xi32>,
    %swap3A_429 = vector.shape_cast %swap3A_428 : vector<1x16xi32> to vector<16xi32>
    %swap3A_430 = vector.shape_cast %add3A_424 : vector<16xi32> to vector<1x16xi32>
    tpu.vector_store %arg6[%swap3A_426, %swap3A_427], %swap3A_430 {strides = array<i32>} : memref<4x128xi32, #tpu.memory_space<vmem>>, vector<1x16xi32>,
    %get3A_431 = arith.constant 256 : index
    %get3A_432 = tpu.vector_load %arg5[%get3A_431] {strides = array<i32>} : memref<512xf32, #tpu.memory_space<vmem>>, vector<16xf32>,
    %get3A_433 = vector.shape_cast %get3A_432 : vector<16xf32> to vector<16xf32>
    %mul3A_434 = arith.constant 9.990000e+02 : f32
    %mul3A_435 = vector.broadcast %mul3A_434 : f32 to vector<16xf32>
    %mul3A_436 = arith.mulf %get3A_433, %mul3A_435 : vector<16xf32>
    %add3A_437 = arith.constant 0x4B000000 : f32
    %add3A_438 = vector.broadcast %add3A_437 : f32 to vector<16xf32>
    %add3A_439 = arith.addf %mul3A_436, %add3A_438 : vector<16xf32>
    %sub3A_440 = arith.constant 0x4B000000 : f32
    %sub3A_441 = vector.broadcast %sub3A_440 : f32 to vector<16xf32>
    %sub3A_442 = arith.subf %add3A_439, %sub3A_441 : vector<16xf32>
    %convert_element_type3A_443 = arith.fptosi %sub3A_442 : vector<16xf32> to vector<16xi32>
    %add3A_444 = arith.constant 256 : i32
    %add3A_445 = arith.addi %mul3A_2, %add3A_444 : i32
    %add3A_446 = vector.broadcast %add3A_445 : i32 to vector<16xi32>
    %add3A_447 = arith.addi %add3A_446, %iota3A : vector<16xi32>
    %mul3A_448 = arith.constant 1000 : i32
    %mul3A_449 = vector.broadcast %mul3A_448 : i32 to vector<16xi32>
    %mul3A_450 = arith.muli %add3A_447, %mul3A_449 : vector<16xi32>
    %add3A_451 = arith.addi %mul3A_450, %convert_element_type3A_443 : vector<16xi32>
    %swap3A_452 = arith.constant 2 : i32
    %swap3A_453 = arith.index_cast %swap3A_452 : i32 to index
    %swap3A_454 = arith.constant 0 : index
    %swap3A_455 = tpu.vector_load %arg6[%swap3A_453, %swap3A_454] {strides = array<i32>} : memref<4x128xi32, #tpu.memory_space<vmem>>, vector<1x16xi32>,
    %swap3A_456 = vector.shape_cast %swap3A_455 : vector<1x16xi32> to vector<16xi32>
    %swap3A_457 = vector.shape_cast %add3A_451 : vector<16xi32> to vector<1x16xi32>
    tpu.vector_store %arg6[%swap3A_453, %swap3A_454], %swap3A_457 {strides = array<i32>} : memref<4x128xi32, #tpu.memory_space<vmem>>, vector<1x16xi32>,
    %get3A_458 = arith.constant 272 : index
    %get3A_459 = tpu.vector_load %arg5[%get3A_458] {strides = array<i32>} : memref<512xf32, #tpu.memory_space<vmem>>, vector<16xf32>,
    %get3A_460 = vector.shape_cast %get3A_459 : vector<16xf32> to vector<16xf32>
    %mul3A_461 = arith.constant 9.990000e+02 : f32
    %mul3A_462 = vector.broadcast %mul3A_461 : f32 to vector<16xf32>
    %mul3A_463 = arith.mulf %get3A_460, %mul3A_462 : vector<16xf32>
    %add3A_464 = arith.constant 0x4B000000 : f32
    %add3A_465 = vector.broadcast %add3A_464 : f32 to vector<16xf32>
    %add3A_466 = arith.addf %mul3A_463, %add3A_465 : vector<16xf32>
    %sub3A_467 = arith.constant 0x4B000000 : f32
    %sub3A_468 = vector.broadcast %sub3A_467 : f32 to vector<16xf32>
    %sub3A_469 = arith.subf %add3A_466, %sub3A_468 : vector<16xf32>
    %convert_element_type3A_470 = arith.fptosi %sub3A_469 : vector<16xf32> to vector<16xi32>
    %add3A_471 = arith.constant 272 : i32
    %add3A_472 = arith.addi %mul3A_2, %add3A_471 : i32
    %add3A_473 = vector.broadcast %add3A_472 : i32 to vector<16xi32>
    %add3A_474 = arith.addi %add3A_473, %iota3A : vector<16xi32>
    %mul3A_475 = arith.constant 1000 : i32
    %mul3A_476 = vector.broadcast %mul3A_475 : i32 to vector<16xi32>
    %mul3A_477 = arith.muli %add3A_474, %mul3A_476 : vector<16xi32>
    %add3A_478 = arith.addi %mul3A_477, %convert_element_type3A_470 : vector<16xi32>
    %swap3A_479 = arith.constant 2 : i32
    %swap3A_480 = arith.index_cast %swap3A_479 : i32 to index
    %swap3A_481 = arith.constant 16 : index
    %swap3A_482 = tpu.vector_load %arg6[%swap3A_480, %swap3A_481] {strides = array<i32>} : memref<4x128xi32, #tpu.memory_space<vmem>>, vector<1x16xi32>,
    %swap3A_483 = vector.shape_cast %swap3A_482 : vector<1x16xi32> to vector<16xi32>
    %swap3A_484 = vector.shape_cast %add3A_478 : vector<16xi32> to vector<1x16xi32>
    tpu.vector_store %arg6[%swap3A_480, %swap3A_481], %swap3A_484 {strides = array<i32>} : memref<4x128xi32, #tpu.memory_space<vmem>>, vector<1x16xi32>,
    %get3A_485 = arith.constant 288 : index
    %get3A_486 = tpu.vector_load %arg5[%get3A_485] {strides = array<i32>} : memref<512xf32, #tpu.memory_space<vmem>>, vector<16xf32>,
    %get3A_487 = vector.shape_cast %get3A_486 : vector<16xf32> to vector<16xf32>
    %mul3A_488 = arith.constant 9.990000e+02 : f32
    %mul3A_489 = vector.broadcast %mul3A_488 : f32 to vector<16xf32>
    %mul3A_490 = arith.mulf %get3A_487, %mul3A_489 : vector<16xf32>
    %add3A_491 = arith.constant 0x4B000000 : f32
    %add3A_492 = vector.broadcast %add3A_491 : f32 to vector<16xf32>
    %add3A_493 = arith.addf %mul3A_490, %add3A_492 : vector<16xf32>
    %sub3A_494 = arith.constant 0x4B000000 : f32
    %sub3A_495 = vector.broadcast %sub3A_494 : f32 to vector<16xf32>
    %sub3A_496 = arith.subf %add3A_493, %sub3A_495 : vector<16xf32>
    %convert_element_type3A_497 = arith.fptosi %sub3A_496 : vector<16xf32> to vector<16xi32>
    %add3A_498 = arith.constant 288 : i32
    %add3A_499 = arith.addi %mul3A_2, %add3A_498 : i32
    %add3A_500 = vector.broadcast %add3A_499 : i32 to vector<16xi32>
    %add3A_501 = arith.addi %add3A_500, %iota3A : vector<16xi32>
    %mul3A_502 = arith.constant 1000 : i32
    %mul3A_503 = vector.broadcast %mul3A_502 : i32 to vector<16xi32>
    %mul3A_504 = arith.muli %add3A_501, %mul3A_503 : vector<16xi32>
    %add3A_505 = arith.addi %mul3A_504, %convert_element_type3A_497 : vector<16xi32>
    %swap3A_506 = arith.constant 2 : i32
    %swap3A_507 = arith.index_cast %swap3A_506 : i32 to index
    %swap3A_508 = arith.constant 32 : index
    %swap3A_509 = tpu.vector_load %arg6[%swap3A_507, %swap3A_508] {strides = array<i32>} : memref<4x128xi32, #tpu.memory_space<vmem>>, vector<1x16xi32>,
    %swap3A_510 = vector.shape_cast %swap3A_509 : vector<1x16xi32> to vector<16xi32>
    %swap3A_511 = vector.shape_cast %add3A_505 : vector<16xi32> to vector<1x16xi32>
    tpu.vector_store %arg6[%swap3A_507, %swap3A_508], %swap3A_511 {strides = array<i32>} : memref<4x128xi32, #tpu.memory_space<vmem>>, vector<1x16xi32>,
    %get3A_512 = arith.constant 304 : index
    %get3A_513 = tpu.vector_load %arg5[%get3A_512] {strides = array<i32>} : memref<512xf32, #tpu.memory_space<vmem>>, vector<16xf32>,
    %get3A_514 = vector.shape_cast %get3A_513 : vector<16xf32> to vector<16xf32>
    %mul3A_515 = arith.constant 9.990000e+02 : f32
    %mul3A_516 = vector.broadcast %mul3A_515 : f32 to vector<16xf32>
    %mul3A_517 = arith.mulf %get3A_514, %mul3A_516 : vector<16xf32>
    %add3A_518 = arith.constant 0x4B000000 : f32
    %add3A_519 = vector.broadcast %add3A_518 : f32 to vector<16xf32>
    %add3A_520 = arith.addf %mul3A_517, %add3A_519 : vector<16xf32>
    %sub3A_521 = arith.constant 0x4B000000 : f32
    %sub3A_522 = vector.broadcast %sub3A_521 : f32 to vector<16xf32>
    %sub3A_523 = arith.subf %add3A_520, %sub3A_522 : vector<16xf32>
    %convert_element_type3A_524 = arith.fptosi %sub3A_523 : vector<16xf32> to vector<16xi32>
    %add3A_525 = arith.constant 304 : i32
    %add3A_526 = arith.addi %mul3A_2, %add3A_525 : i32
    %add3A_527 = vector.broadcast %add3A_526 : i32 to vector<16xi32>
    %add3A_528 = arith.addi %add3A_527, %iota3A : vector<16xi32>
    %mul3A_529 = arith.constant 1000 : i32
    %mul3A_530 = vector.broadcast %mul3A_529 : i32 to vector<16xi32>
    %mul3A_531 = arith.muli %add3A_528, %mul3A_530 : vector<16xi32>
    %add3A_532 = arith.addi %mul3A_531, %convert_element_type3A_524 : vector<16xi32>
    %swap3A_533 = arith.constant 2 : i32
    %swap3A_534 = arith.index_cast %swap3A_533 : i32 to index
    %swap3A_535 = arith.constant 48 : index
    %swap3A_536 = tpu.vector_load %arg6[%swap3A_534, %swap3A_535] {strides = array<i32>} : memref<4x128xi32, #tpu.memory_space<vmem>>, vector<1x16xi32>,
    %swap3A_537 = vector.shape_cast %swap3A_536 : vector<1x16xi32> to vector<16xi32>
    %swap3A_538 = vector.shape_cast %add3A_532 : vector<16xi32> to vector<1x16xi32>
    tpu.vector_store %arg6[%swap3A_534, %swap3A_535], %swap3A_538 {strides = array<i32>} : memref<4x128xi32, #tpu.memory_space<vmem>>, vector<1x16xi32>,
    %get3A_539 = arith.constant 320 : index
    %get3A_540 = tpu.vector_load %arg5[%get3A_539] {strides = array<i32>} : memref<512xf32, #tpu.memory_space<vmem>>, vector<16xf32>,
    %get3A_541 = vector.shape_cast %get3A_540 : vector<16xf32> to vector<16xf32>
    %mul3A_542 = arith.constant 9.990000e+02 : f32
    %mul3A_543 = vector.broadcast %mul3A_542 : f32 to vector<16xf32>
    %mul3A_544 = arith.mulf %get3A_541, %mul3A_543 : vector<16xf32>
    %add3A_545 = arith.constant 0x4B000000 : f32
    %add3A_546 = vector.broadcast %add3A_545 : f32 to vector<16xf32>
    %add3A_547 = arith.addf %mul3A_544, %add3A_546 : vector<16xf32>
    %sub3A_548 = arith.constant 0x4B000000 : f32
    %sub3A_549 = vector.broadcast %sub3A_548 : f32 to vector<16xf32>
    %sub3A_550 = arith.subf %add3A_547, %sub3A_549 : vector<16xf32>
    %convert_element_type3A_551 = arith.fptosi %sub3A_550 : vector<16xf32> to vector<16xi32>
    %add3A_552 = arith.constant 320 : i32
    %add3A_553 = arith.addi %mul3A_2, %add3A_552 : i32
    %add3A_554 = vector.broadcast %add3A_553 : i32 to vector<16xi32>
    %add3A_555 = arith.addi %add3A_554, %iota3A : vector<16xi32>
    %mul3A_556 = arith.constant 1000 : i32
    %mul3A_557 = vector.broadcast %mul3A_556 : i32 to vector<16xi32>
    %mul3A_558 = arith.muli %add3A_555, %mul3A_557 : vector<16xi32>
    %add3A_559 = arith.addi %mul3A_558, %convert_element_type3A_551 : vector<16xi32>
    %swap3A_560 = arith.constant 2 : i32
    %swap3A_561 = arith.index_cast %swap3A_560 : i32 to index
    %swap3A_562 = arith.constant 64 : index
    %swap3A_563 = tpu.vector_load %arg6[%swap3A_561, %swap3A_562] {strides = array<i32>} : memref<4x128xi32, #tpu.memory_space<vmem>>, vector<1x16xi32>,
    %swap3A_564 = vector.shape_cast %swap3A_563 : vector<1x16xi32> to vector<16xi32>
    %swap3A_565 = vector.shape_cast %add3A_559 : vector<16xi32> to vector<1x16xi32>
    tpu.vector_store %arg6[%swap3A_561, %swap3A_562], %swap3A_565 {strides = array<i32>} : memref<4x128xi32, #tpu.memory_space<vmem>>, vector<1x16xi32>,
    %get3A_566 = arith.constant 336 : index
    %get3A_567 = tpu.vector_load %arg5[%get3A_566] {strides = array<i32>} : memref<512xf32, #tpu.memory_space<vmem>>, vector<16xf32>,
    %get3A_568 = vector.shape_cast %get3A_567 : vector<16xf32> to vector<16xf32>
    %mul3A_569 = arith.constant 9.990000e+02 : f32
    %mul3A_570 = vector.broadcast %mul3A_569 : f32 to vector<16xf32>
    %mul3A_571 = arith.mulf %get3A_568, %mul3A_570 : vector<16xf32>
    %add3A_572 = arith.constant 0x4B000000 : f32
    %add3A_573 = vector.broadcast %add3A_572 : f32 to vector<16xf32>
    %add3A_574 = arith.addf %mul3A_571, %add3A_573 : vector<16xf32>
    %sub3A_575 = arith.constant 0x4B000000 : f32
    %sub3A_576 = vector.broadcast %sub3A_575 : f32 to vector<16xf32>
    %sub3A_577 = arith.subf %add3A_574, %sub3A_576 : vector<16xf32>
    %convert_element_type3A_578 = arith.fptosi %sub3A_577 : vector<16xf32> to vector<16xi32>
    %add3A_579 = arith.constant 336 : i32
    %add3A_580 = arith.addi %mul3A_2, %add3A_579 : i32
    %add3A_581 = vector.broadcast %add3A_580 : i32 to vector<16xi32>
    %add3A_582 = arith.addi %add3A_581, %iota3A : vector<16xi32>
    %mul3A_583 = arith.constant 1000 : i32
    %mul3A_584 = vector.broadcast %mul3A_583 : i32 to vector<16xi32>
    %mul3A_585 = arith.muli %add3A_582, %mul3A_584 : vector<16xi32>
    %add3A_586 = arith.addi %mul3A_585, %convert_element_type3A_578 : vector<16xi32>
    %swap3A_587 = arith.constant 2 : i32
    %swap3A_588 = arith.index_cast %swap3A_587 : i32 to index
    %swap3A_589 = arith.constant 80 : index
    %swap3A_590 = tpu.vector_load %arg6[%swap3A_588, %swap3A_589] {strides = array<i32>} : memref<4x128xi32, #tpu.memory_space<vmem>>, vector<1x16xi32>,
    %swap3A_591 = vector.shape_cast %swap3A_590 : vector<1x16xi32> to vector<16xi32>
    %swap3A_592 = vector.shape_cast %add3A_586 : vector<16xi32> to vector<1x16xi32>
    tpu.vector_store %arg6[%swap3A_588, %swap3A_589], %swap3A_592 {strides = array<i32>} : memref<4x128xi32, #tpu.memory_space<vmem>>, vector<1x16xi32>,
    %get3A_593 = arith.constant 352 : index
    %get3A_594 = tpu.vector_load %arg5[%get3A_593] {strides = array<i32>} : memref<512xf32, #tpu.memory_space<vmem>>, vector<16xf32>,
    %get3A_595 = vector.shape_cast %get3A_594 : vector<16xf32> to vector<16xf32>
    %mul3A_596 = arith.constant 9.990000e+02 : f32
    %mul3A_597 = vector.broadcast %mul3A_596 : f32 to vector<16xf32>
    %mul3A_598 = arith.mulf %get3A_595, %mul3A_597 : vector<16xf32>
    %add3A_599 = arith.constant 0x4B000000 : f32
    %add3A_600 = vector.broadcast %add3A_599 : f32 to vector<16xf32>
    %add3A_601 = arith.addf %mul3A_598, %add3A_600 : vector<16xf32>
    %sub3A_602 = arith.constant 0x4B000000 : f32
    %sub3A_603 = vector.broadcast %sub3A_602 : f32 to vector<16xf32>
    %sub3A_604 = arith.subf %add3A_601, %sub3A_603 : vector<16xf32>
    %convert_element_type3A_605 = arith.fptosi %sub3A_604 : vector<16xf32> to vector<16xi32>
    %add3A_606 = arith.constant 352 : i32
    %add3A_607 = arith.addi %mul3A_2, %add3A_606 : i32
    %add3A_608 = vector.broadcast %add3A_607 : i32 to vector<16xi32>
    %add3A_609 = arith.addi %add3A_608, %iota3A : vector<16xi32>
    %mul3A_610 = arith.constant 1000 : i32
    %mul3A_611 = vector.broadcast %mul3A_610 : i32 to vector<16xi32>
    %mul3A_612 = arith.muli %add3A_609, %mul3A_611 : vector<16xi32>
    %add3A_613 = arith.addi %mul3A_612, %convert_element_type3A_605 : vector<16xi32>
    %swap3A_614 = arith.constant 2 : i32
    %swap3A_615 = arith.index_cast %swap3A_614 : i32 to index
    %swap3A_616 = arith.constant 96 : index
    %swap3A_617 = tpu.vector_load %arg6[%swap3A_615, %swap3A_616] {strides = array<i32>} : memref<4x128xi32, #tpu.memory_space<vmem>>, vector<1x16xi32>,
    %swap3A_618 = vector.shape_cast %swap3A_617 : vector<1x16xi32> to vector<16xi32>
    %swap3A_619 = vector.shape_cast %add3A_613 : vector<16xi32> to vector<1x16xi32>
    tpu.vector_store %arg6[%swap3A_615, %swap3A_616], %swap3A_619 {strides = array<i32>} : memref<4x128xi32, #tpu.memory_space<vmem>>, vector<1x16xi32>,
    %get3A_620 = arith.constant 368 : index
    %get3A_621 = tpu.vector_load %arg5[%get3A_620] {strides = array<i32>} : memref<512xf32, #tpu.memory_space<vmem>>, vector<16xf32>,
    %get3A_622 = vector.shape_cast %get3A_621 : vector<16xf32> to vector<16xf32>
    %mul3A_623 = arith.constant 9.990000e+02 : f32
    %mul3A_624 = vector.broadcast %mul3A_623 : f32 to vector<16xf32>
    %mul3A_625 = arith.mulf %get3A_622, %mul3A_624 : vector<16xf32>
    %add3A_626 = arith.constant 0x4B000000 : f32
    %add3A_627 = vector.broadcast %add3A_626 : f32 to vector<16xf32>
    %add3A_628 = arith.addf %mul3A_625, %add3A_627 : vector<16xf32>
    %sub3A_629 = arith.constant 0x4B000000 : f32
    %sub3A_630 = vector.broadcast %sub3A_629 : f32 to vector<16xf32>
    %sub3A_631 = arith.subf %add3A_628, %sub3A_630 : vector<16xf32>
    %convert_element_type3A_632 = arith.fptosi %sub3A_631 : vector<16xf32> to vector<16xi32>
    %add3A_633 = arith.constant 368 : i32
    %add3A_634 = arith.addi %mul3A_2, %add3A_633 : i32
    %add3A_635 = vector.broadcast %add3A_634 : i32 to vector<16xi32>
    %add3A_636 = arith.addi %add3A_635, %iota3A : vector<16xi32>
    %mul3A_637 = arith.constant 1000 : i32
    %mul3A_638 = vector.broadcast %mul3A_637 : i32 to vector<16xi32>
    %mul3A_639 = arith.muli %add3A_636, %mul3A_638 : vector<16xi32>
    %add3A_640 = arith.addi %mul3A_639, %convert_element_type3A_632 : vector<16xi32>
    %swap3A_641 = arith.constant 2 : i32
    %swap3A_642 = arith.index_cast %swap3A_641 : i32 to index
    %swap3A_643 = arith.constant 112 : index
    %swap3A_644 = tpu.vector_load %arg6[%swap3A_642, %swap3A_643] {strides = array<i32>} : memref<4x128xi32, #tpu.memory_space<vmem>>, vector<1x16xi32>,
    %swap3A_645 = vector.shape_cast %swap3A_644 : vector<1x16xi32> to vector<16xi32>
    %swap3A_646 = vector.shape_cast %add3A_640 : vector<16xi32> to vector<1x16xi32>
    tpu.vector_store %arg6[%swap3A_642, %swap3A_643], %swap3A_646 {strides = array<i32>} : memref<4x128xi32, #tpu.memory_space<vmem>>, vector<1x16xi32>,
    %get3A_647 = arith.constant 384 : index
    %get3A_648 = tpu.vector_load %arg5[%get3A_647] {strides = array<i32>} : memref<512xf32, #tpu.memory_space<vmem>>, vector<16xf32>,
    %get3A_649 = vector.shape_cast %get3A_648 : vector<16xf32> to vector<16xf32>
    %mul3A_650 = arith.constant 9.990000e+02 : f32
    %mul3A_651 = vector.broadcast %mul3A_650 : f32 to vector<16xf32>
    %mul3A_652 = arith.mulf %get3A_649, %mul3A_651 : vector<16xf32>
    %add3A_653 = arith.constant 0x4B000000 : f32
    %add3A_654 = vector.broadcast %add3A_653 : f32 to vector<16xf32>
    %add3A_655 = arith.addf %mul3A_652, %add3A_654 : vector<16xf32>
    %sub3A_656 = arith.constant 0x4B000000 : f32
    %sub3A_657 = vector.broadcast %sub3A_656 : f32 to vector<16xf32>
    %sub3A_658 = arith.subf %add3A_655, %sub3A_657 : vector<16xf32>
    %convert_element_type3A_659 = arith.fptosi %sub3A_658 : vector<16xf32> to vector<16xi32>
    %add3A_660 = arith.constant 384 : i32
    %add3A_661 = arith.addi %mul3A_2, %add3A_660 : i32
    %add3A_662 = vector.broadcast %add3A_661 : i32 to vector<16xi32>
    %add3A_663 = arith.addi %add3A_662, %iota3A : vector<16xi32>
    %mul3A_664 = arith.constant 1000 : i32
    %mul3A_665 = vector.broadcast %mul3A_664 : i32 to vector<16xi32>
    %mul3A_666 = arith.muli %add3A_663, %mul3A_665 : vector<16xi32>
    %add3A_667 = arith.addi %mul3A_666, %convert_element_type3A_659 : vector<16xi32>
    %swap3A_668 = arith.constant 3 : i32
    %swap3A_669 = arith.index_cast %swap3A_668 : i32 to index
    %swap3A_670 = arith.constant 0 : index
    %swap3A_671 = tpu.vector_load %arg6[%swap3A_669, %swap3A_670] {strides = array<i32>} : memref<4x128xi32, #tpu.memory_space<vmem>>, vector<1x16xi32>,
    %swap3A_672 = vector.shape_cast %swap3A_671 : vector<1x16xi32> to vector<16xi32>
    %swap3A_673 = vector.shape_cast %add3A_667 : vector<16xi32> to vector<1x16xi32>
    tpu.vector_store %arg6[%swap3A_669, %swap3A_670], %swap3A_673 {strides = array<i32>} : memref<4x128xi32, #tpu.memory_space<vmem>>, vector<1x16xi32>,
    %get3A_674 = arith.constant 400 : index
    %get3A_675 = tpu.vector_load %arg5[%get3A_674] {strides = array<i32>} : memref<512xf32, #tpu.memory_space<vmem>>, vector<16xf32>,
    %get3A_676 = vector.shape_cast %get3A_675 : vector<16xf32> to vector<16xf32>
    %mul3A_677 = arith.constant 9.990000e+02 : f32
    %mul3A_678 = vector.broadcast %mul3A_677 : f32 to vector<16xf32>
    %mul3A_679 = arith.mulf %get3A_676, %mul3A_678 : vector<16xf32>
    %add3A_680 = arith.constant 0x4B000000 : f32
    %add3A_681 = vector.broadcast %add3A_680 : f32 to vector<16xf32>
    %add3A_682 = arith.addf %mul3A_679, %add3A_681 : vector<16xf32>
    %sub3A_683 = arith.constant 0x4B000000 : f32
    %sub3A_684 = vector.broadcast %sub3A_683 : f32 to vector<16xf32>
    %sub3A_685 = arith.subf %add3A_682, %sub3A_684 : vector<16xf32>
    %convert_element_type3A_686 = arith.fptosi %sub3A_685 : vector<16xf32> to vector<16xi32>
    %add3A_687 = arith.constant 400 : i32
    %add3A_688 = arith.addi %mul3A_2, %add3A_687 : i32
    %add3A_689 = vector.broadcast %add3A_688 : i32 to vector<16xi32>
    %add3A_690 = arith.addi %add3A_689, %iota3A : vector<16xi32>
    %mul3A_691 = arith.constant 1000 : i32
    %mul3A_692 = vector.broadcast %mul3A_691 : i32 to vector<16xi32>
    %mul3A_693 = arith.muli %add3A_690, %mul3A_692 : vector<16xi32>
    %add3A_694 = arith.addi %mul3A_693, %convert_element_type3A_686 : vector<16xi32>
    %swap3A_695 = arith.constant 3 : i32
    %swap3A_696 = arith.index_cast %swap3A_695 : i32 to index
    %swap3A_697 = arith.constant 16 : index
    %swap3A_698 = tpu.vector_load %arg6[%swap3A_696, %swap3A_697] {strides = array<i32>} : memref<4x128xi32, #tpu.memory_space<vmem>>, vector<1x16xi32>,
    %swap3A_699 = vector.shape_cast %swap3A_698 : vector<1x16xi32> to vector<16xi32>
    %swap3A_700 = vector.shape_cast %add3A_694 : vector<16xi32> to vector<1x16xi32>
    tpu.vector_store %arg6[%swap3A_696, %swap3A_697], %swap3A_700 {strides = array<i32>} : memref<4x128xi32, #tpu.memory_space<vmem>>, vector<1x16xi32>,
    %get3A_701 = arith.constant 416 : index
    %get3A_702 = tpu.vector_load %arg5[%get3A_701] {strides = array<i32>} : memref<512xf32, #tpu.memory_space<vmem>>, vector<16xf32>,
    %get3A_703 = vector.shape_cast %get3A_702 : vector<16xf32> to vector<16xf32>
    %mul3A_704 = arith.constant 9.990000e+02 : f32
    %mul3A_705 = vector.broadcast %mul3A_704 : f32 to vector<16xf32>
    %mul3A_706 = arith.mulf %get3A_703, %mul3A_705 : vector<16xf32>
    %add3A_707 = arith.constant 0x4B000000 : f32
    %add3A_708 = vector.broadcast %add3A_707 : f32 to vector<16xf32>
    %add3A_709 = arith.addf %mul3A_706, %add3A_708 : vector<16xf32>
    %sub3A_710 = arith.constant 0x4B000000 : f32
    %sub3A_711 = vector.broadcast %sub3A_710 : f32 to vector<16xf32>
    %sub3A_712 = arith.subf %add3A_709, %sub3A_711 : vector<16xf32>
    %convert_element_type3A_713 = arith.fptosi %sub3A_712 : vector<16xf32> to vector<16xi32>
    %add3A_714 = arith.constant 416 : i32
    %add3A_715 = arith.addi %mul3A_2, %add3A_714 : i32
    %add3A_716 = vector.broadcast %add3A_715 : i32 to vector<16xi32>
    %add3A_717 = arith.addi %add3A_716, %iota3A : vector<16xi32>
    %mul3A_718 = arith.constant 1000 : i32
    %mul3A_719 = vector.broadcast %mul3A_718 : i32 to vector<16xi32>
    %mul3A_720 = arith.muli %add3A_717, %mul3A_719 : vector<16xi32>
    %add3A_721 = arith.addi %mul3A_720, %convert_element_type3A_713 : vector<16xi32>
    %swap3A_722 = arith.constant 3 : i32
    %swap3A_723 = arith.index_cast %swap3A_722 : i32 to index
    %swap3A_724 = arith.constant 32 : index
    %swap3A_725 = tpu.vector_load %arg6[%swap3A_723, %swap3A_724] {strides = array<i32>} : memref<4x128xi32, #tpu.memory_space<vmem>>, vector<1x16xi32>,
    %swap3A_726 = vector.shape_cast %swap3A_725 : vector<1x16xi32> to vector<16xi32>
    %swap3A_727 = vector.shape_cast %add3A_721 : vector<16xi32> to vector<1x16xi32>
    tpu.vector_store %arg6[%swap3A_723, %swap3A_724], %swap3A_727 {strides = array<i32>} : memref<4x128xi32, #tpu.memory_space<vmem>>, vector<1x16xi32>,
    %get3A_728 = arith.constant 432 : index
    %get3A_729 = tpu.vector_load %arg5[%get3A_728] {strides = array<i32>} : memref<512xf32, #tpu.memory_space<vmem>>, vector<16xf32>,
    %get3A_730 = vector.shape_cast %get3A_729 : vector<16xf32> to vector<16xf32>
    %mul3A_731 = arith.constant 9.990000e+02 : f32
    %mul3A_732 = vector.broadcast %mul3A_731 : f32 to vector<16xf32>
    %mul3A_733 = arith.mulf %get3A_730, %mul3A_732 : vector<16xf32>
    %add3A_734 = arith.constant 0x4B000000 : f32
    %add3A_735 = vector.broadcast %add3A_734 : f32 to vector<16xf32>
    %add3A_736 = arith.addf %mul3A_733, %add3A_735 : vector<16xf32>
    %sub3A_737 = arith.constant 0x4B000000 : f32
    %sub3A_738 = vector.broadcast %sub3A_737 : f32 to vector<16xf32>
    %sub3A_739 = arith.subf %add3A_736, %sub3A_738 : vector<16xf32>
    %convert_element_type3A_740 = arith.fptosi %sub3A_739 : vector<16xf32> to vector<16xi32>
    %add3A_741 = arith.constant 432 : i32
    %add3A_742 = arith.addi %mul3A_2, %add3A_741 : i32
    %add3A_743 = vector.broadcast %add3A_742 : i32 to vector<16xi32>
    %add3A_744 = arith.addi %add3A_743, %iota3A : vector<16xi32>
    %mul3A_745 = arith.constant 1000 : i32
    %mul3A_746 = vector.broadcast %mul3A_745 : i32 to vector<16xi32>
    %mul3A_747 = arith.muli %add3A_744, %mul3A_746 : vector<16xi32>
    %add3A_748 = arith.addi %mul3A_747, %convert_element_type3A_740 : vector<16xi32>
    %swap3A_749 = arith.constant 3 : i32
    %swap3A_750 = arith.index_cast %swap3A_749 : i32 to index
    %swap3A_751 = arith.constant 48 : index
    %swap3A_752 = tpu.vector_load %arg6[%swap3A_750, %swap3A_751] {strides = array<i32>} : memref<4x128xi32, #tpu.memory_space<vmem>>, vector<1x16xi32>,
    %swap3A_753 = vector.shape_cast %swap3A_752 : vector<1x16xi32> to vector<16xi32>
    %swap3A_754 = vector.shape_cast %add3A_748 : vector<16xi32> to vector<1x16xi32>
    tpu.vector_store %arg6[%swap3A_750, %swap3A_751], %swap3A_754 {strides = array<i32>} : memref<4x128xi32, #tpu.memory_space<vmem>>, vector<1x16xi32>,
    %get3A_755 = arith.constant 448 : index
    %get3A_756 = tpu.vector_load %arg5[%get3A_755] {strides = array<i32>} : memref<512xf32, #tpu.memory_space<vmem>>, vector<16xf32>,
    %get3A_757 = vector.shape_cast %get3A_756 : vector<16xf32> to vector<16xf32>
    %mul3A_758 = arith.constant 9.990000e+02 : f32
    %mul3A_759 = vector.broadcast %mul3A_758 : f32 to vector<16xf32>
    %mul3A_760 = arith.mulf %get3A_757, %mul3A_759 : vector<16xf32>
    %add3A_761 = arith.constant 0x4B000000 : f32
    %add3A_762 = vector.broadcast %add3A_761 : f32 to vector<16xf32>
    %add3A_763 = arith.addf %mul3A_760, %add3A_762 : vector<16xf32>
    %sub3A_764 = arith.constant 0x4B000000 : f32
    %sub3A_765 = vector.broadcast %sub3A_764 : f32 to vector<16xf32>
    %sub3A_766 = arith.subf %add3A_763, %sub3A_765 : vector<16xf32>
    %convert_element_type3A_767 = arith.fptosi %sub3A_766 : vector<16xf32> to vector<16xi32>
    %add3A_768 = arith.constant 448 : i32
    %add3A_769 = arith.addi %mul3A_2, %add3A_768 : i32
    %add3A_770 = vector.broadcast %add3A_769 : i32 to vector<16xi32>
    %add3A_771 = arith.addi %add3A_770, %iota3A : vector<16xi32>
    %mul3A_772 = arith.constant 1000 : i32
    %mul3A_773 = vector.broadcast %mul3A_772 : i32 to vector<16xi32>
    %mul3A_774 = arith.muli %add3A_771, %mul3A_773 : vector<16xi32>
    %add3A_775 = arith.addi %mul3A_774, %convert_element_type3A_767 : vector<16xi32>
    %swap3A_776 = arith.constant 3 : i32
    %swap3A_777 = arith.index_cast %swap3A_776 : i32 to index
    %swap3A_778 = arith.constant 64 : index
    %swap3A_779 = tpu.vector_load %arg6[%swap3A_777, %swap3A_778] {strides = array<i32>} : memref<4x128xi32, #tpu.memory_space<vmem>>, vector<1x16xi32>,
    %swap3A_780 = vector.shape_cast %swap3A_779 : vector<1x16xi32> to vector<16xi32>
    %swap3A_781 = vector.shape_cast %add3A_775 : vector<16xi32> to vector<1x16xi32>
    tpu.vector_store %arg6[%swap3A_777, %swap3A_778], %swap3A_781 {strides = array<i32>} : memref<4x128xi32, #tpu.memory_space<vmem>>, vector<1x16xi32>,
    %get3A_782 = arith.constant 464 : index
    %get3A_783 = tpu.vector_load %arg5[%get3A_782] {strides = array<i32>} : memref<512xf32, #tpu.memory_space<vmem>>, vector<16xf32>,
    %get3A_784 = vector.shape_cast %get3A_783 : vector<16xf32> to vector<16xf32>
    %mul3A_785 = arith.constant 9.990000e+02 : f32
    %mul3A_786 = vector.broadcast %mul3A_785 : f32 to vector<16xf32>
    %mul3A_787 = arith.mulf %get3A_784, %mul3A_786 : vector<16xf32>
    %add3A_788 = arith.constant 0x4B000000 : f32
    %add3A_789 = vector.broadcast %add3A_788 : f32 to vector<16xf32>
    %add3A_790 = arith.addf %mul3A_787, %add3A_789 : vector<16xf32>
    %sub3A_791 = arith.constant 0x4B000000 : f32
    %sub3A_792 = vector.broadcast %sub3A_791 : f32 to vector<16xf32>
    %sub3A_793 = arith.subf %add3A_790, %sub3A_792 : vector<16xf32>
    %convert_element_type3A_794 = arith.fptosi %sub3A_793 : vector<16xf32> to vector<16xi32>
    %add3A_795 = arith.constant 464 : i32
    %add3A_796 = arith.addi %mul3A_2, %add3A_795 : i32
    %add3A_797 = vector.broadcast %add3A_796 : i32 to vector<16xi32>
    %add3A_798 = arith.addi %add3A_797, %iota3A : vector<16xi32>
    %mul3A_799 = arith.constant 1000 : i32
    %mul3A_800 = vector.broadcast %mul3A_799 : i32 to vector<16xi32>
    %mul3A_801 = arith.muli %add3A_798, %mul3A_800 : vector<16xi32>
    %add3A_802 = arith.addi %mul3A_801, %convert_element_type3A_794 : vector<16xi32>
    %swap3A_803 = arith.constant 3 : i32
    %swap3A_804 = arith.index_cast %swap3A_803 : i32 to index
    %swap3A_805 = arith.constant 80 : index
    %swap3A_806 = tpu.vector_load %arg6[%swap3A_804, %swap3A_805] {strides = array<i32>} : memref<4x128xi32, #tpu.memory_space<vmem>>, vector<1x16xi32>,
    %swap3A_807 = vector.shape_cast %swap3A_806 : vector<1x16xi32> to vector<16xi32>
    %swap3A_808 = vector.shape_cast %add3A_802 : vector<16xi32> to vector<1x16xi32>
    tpu.vector_store %arg6[%swap3A_804, %swap3A_805], %swap3A_808 {strides = array<i32>} : memref<4x128xi32, #tpu.memory_space<vmem>>, vector<1x16xi32>,
    %get3A_809 = arith.constant 480 : index
    %get3A_810 = tpu.vector_load %arg5[%get3A_809] {strides = array<i32>} : memref<512xf32, #tpu.memory_space<vmem>>, vector<16xf32>,
    %get3A_811 = vector.shape_cast %get3A_810 : vector<16xf32> to vector<16xf32>
    %mul3A_812 = arith.constant 9.990000e+02 : f32
    %mul3A_813 = vector.broadcast %mul3A_812 : f32 to vector<16xf32>
    %mul3A_814 = arith.mulf %get3A_811, %mul3A_813 : vector<16xf32>
    %add3A_815 = arith.constant 0x4B000000 : f32
    %add3A_816 = vector.broadcast %add3A_815 : f32 to vector<16xf32>
    %add3A_817 = arith.addf %mul3A_814, %add3A_816 : vector<16xf32>
    %sub3A_818 = arith.constant 0x4B000000 : f32
    %sub3A_819 = vector.broadcast %sub3A_818 : f32 to vector<16xf32>
    %sub3A_820 = arith.subf %add3A_817, %sub3A_819 : vector<16xf32>
    %convert_element_type3A_821 = arith.fptosi %sub3A_820 : vector<16xf32> to vector<16xi32>
    %add3A_822 = arith.constant 480 : i32
    %add3A_823 = arith.addi %mul3A_2, %add3A_822 : i32
    %add3A_824 = vector.broadcast %add3A_823 : i32 to vector<16xi32>
    %add3A_825 = arith.addi %add3A_824, %iota3A : vector<16xi32>
    %mul3A_826 = arith.constant 1000 : i32
    %mul3A_827 = vector.broadcast %mul3A_826 : i32 to vector<16xi32>
    %mul3A_828 = arith.muli %add3A_825, %mul3A_827 : vector<16xi32>
    %add3A_829 = arith.addi %mul3A_828, %convert_element_type3A_821 : vector<16xi32>
    %swap3A_830 = arith.constant 3 : i32
    %swap3A_831 = arith.index_cast %swap3A_830 : i32 to index
    %swap3A_832 = arith.constant 96 : index
    %swap3A_833 = tpu.vector_load %arg6[%swap3A_831, %swap3A_832] {strides = array<i32>} : memref<4x128xi32, #tpu.memory_space<vmem>>, vector<1x16xi32>,
    %swap3A_834 = vector.shape_cast %swap3A_833 : vector<1x16xi32> to vector<16xi32>
    %swap3A_835 = vector.shape_cast %add3A_829 : vector<16xi32> to vector<1x16xi32>
    tpu.vector_store %arg6[%swap3A_831, %swap3A_832], %swap3A_835 {strides = array<i32>} : memref<4x128xi32, #tpu.memory_space<vmem>>, vector<1x16xi32>,
    %get3A_836 = arith.constant 496 : index
    %get3A_837 = tpu.vector_load %arg5[%get3A_836] {strides = array<i32>} : memref<512xf32, #tpu.memory_space<vmem>>, vector<16xf32>,
    %get3A_838 = vector.shape_cast %get3A_837 : vector<16xf32> to vector<16xf32>
    %mul3A_839 = arith.constant 9.990000e+02 : f32
    %mul3A_840 = vector.broadcast %mul3A_839 : f32 to vector<16xf32>
    %mul3A_841 = arith.mulf %get3A_838, %mul3A_840 : vector<16xf32>
    %add3A_842 = arith.constant 0x4B000000 : f32
    %add3A_843 = vector.broadcast %add3A_842 : f32 to vector<16xf32>
    %add3A_844 = arith.addf %mul3A_841, %add3A_843 : vector<16xf32>
    %sub3A_845 = arith.constant 0x4B000000 : f32
    %sub3A_846 = vector.broadcast %sub3A_845 : f32 to vector<16xf32>
    %sub3A_847 = arith.subf %add3A_844, %sub3A_846 : vector<16xf32>
    %convert_element_type3A_848 = arith.fptosi %sub3A_847 : vector<16xf32> to vector<16xi32>
    %add3A_849 = arith.constant 496 : i32
    %add3A_850 = arith.addi %mul3A_2, %add3A_849 : i32
    %add3A_851 = vector.broadcast %add3A_850 : i32 to vector<16xi32>
    %add3A_852 = arith.addi %add3A_851, %iota3A : vector<16xi32>
    %mul3A_853 = arith.constant 1000 : i32
    %mul3A_854 = vector.broadcast %mul3A_853 : i32 to vector<16xi32>
    %mul3A_855 = arith.muli %add3A_852, %mul3A_854 : vector<16xi32>
    %add3A_856 = arith.addi %mul3A_855, %convert_element_type3A_848 : vector<16xi32>
    %swap3A_857 = arith.constant 3 : i32
    %swap3A_858 = arith.index_cast %swap3A_857 : i32 to index
    %swap3A_859 = arith.constant 112 : index
    %swap3A_860 = tpu.vector_load %arg6[%swap3A_858, %swap3A_859] {strides = array<i32>} : memref<4x128xi32, #tpu.memory_space<vmem>>, vector<1x16xi32>,
    %swap3A_861 = vector.shape_cast %swap3A_860 : vector<1x16xi32> to vector<16xi32>
    %swap3A_862 = vector.shape_cast %add3A_856 : vector<16xi32> to vector<1x16xi32>
    tpu.vector_store %arg6[%swap3A_858, %swap3A_859], %swap3A_862 {strides = array<i32>} : memref<4x128xi32, #tpu.memory_space<vmem>>, vector<1x16xi32>,
    %dma_start3A = arith.constant 0 : i32
    %dma_start3A_863 = arith.constant 0 : i32
    %dma_start3A_864 = tpu.memref_slice %arg7[%dma_start3A_863] : memref<512xf32, #tpu.memory_space<vmem>> -> memref<128xf32, #tpu.memory_space<vmem>>
    %dma_start3A_865 = arith.constant 0 : i32
    %dma_start3A_866 = tpu.memref_slice %arg6[%dma_start3A, %dma_start3A_865] : memref<4x128xi32, #tpu.memory_space<vmem>> -> memref<1x128xi32, #tpu.memory_space<vmem>>
    %dma_start3A_867 = tpu.memref_squeeze %dma_start3A_866 : memref<1x128xi32, #tpu.memory_space<vmem>> -> memref<128xi32, #tpu.memory_space<vmem>>
    %dma_start3A_868 = arith.constant 0 : i32
    %dma_start3A_869 = tpu.memref_slice %arg3[%dma_start3A_868] : memref<16384000xf32, #tpu.memory_space<hbm>> -> memref<16384000xf32, #tpu.memory_space<hbm>>
    tpu.enqueue_indirect_dma source(%dma_start3A_869 : memref<16384000xf32, #tpu.memory_space<hbm>>) target(%dma_start3A_864 : memref<128xf32, #tpu.memory_space<vmem>>) offsets(%dma_start3A_867 : memref<128xi32, #tpu.memory_space<vmem>>) semaphore(%arg8 : memref<!tpu.dma_semaphore, #tpu.memory_space<semaphore_mem>>)
    %dma_start3A_870 = arith.constant 1 : i32
    %dma_start3A_871 = arith.constant 128 : i32
    %dma_start3A_872 = tpu.memref_slice %arg7[%dma_start3A_871] : memref<512xf32, #tpu.memory_space<vmem>> -> memref<128xf32, #tpu.memory_space<vmem>>
    %dma_start3A_873 = arith.constant 0 : i32
    %dma_start3A_874 = tpu.memref_slice %arg6[%dma_start3A_870, %dma_start3A_873] : memref<4x128xi32, #tpu.memory_space<vmem>> -> memref<1x128xi32, #tpu.memory_space<vmem>>
    %dma_start3A_875 = tpu.memref_squeeze %dma_start3A_874 : memref<1x128xi32, #tpu.memory_space<vmem>> -> memref<128xi32, #tpu.memory_space<vmem>>
    %dma_start3A_876 = arith.constant 0 : i32
    %dma_start3A_877 = tpu.memref_slice %arg3[%dma_start3A_876] : memref<16384000xf32, #tpu.memory_space<hbm>> -> memref<16384000xf32, #tpu.memory_space<hbm>>
    tpu.enqueue_indirect_dma source(%dma_start3A_877 : memref<16384000xf32, #tpu.memory_space<hbm>>) target(%dma_start3A_872 : memref<128xf32, #tpu.memory_space<vmem>>) offsets(%dma_start3A_875 : memref<128xi32, #tpu.memory_space<vmem>>) semaphore(%arg8 : memref<!tpu.dma_semaphore, #tpu.memory_space<semaphore_mem>>)
    %dma_start3A_878 = arith.constant 2 : i32
    %dma_start3A_879 = arith.constant 256 : i32
    %dma_start3A_880 = tpu.memref_slice %arg7[%dma_start3A_879] : memref<512xf32, #tpu.memory_space<vmem>> -> memref<128xf32, #tpu.memory_space<vmem>>
    %dma_start3A_881 = arith.constant 0 : i32
    %dma_start3A_882 = tpu.memref_slice %arg6[%dma_start3A_878, %dma_start3A_881] : memref<4x128xi32, #tpu.memory_space<vmem>> -> memref<1x128xi32, #tpu.memory_space<vmem>>
    %dma_start3A_883 = tpu.memref_squeeze %dma_start3A_882 : memref<1x128xi32, #tpu.memory_space<vmem>> -> memref<128xi32, #tpu.memory_space<vmem>>
    %dma_start3A_884 = arith.constant 0 : i32
    %dma_start3A_885 = tpu.memref_slice %arg3[%dma_start3A_884] : memref<16384000xf32, #tpu.memory_space<hbm>> -> memref<16384000xf32, #tpu.memory_space<hbm>>
    tpu.enqueue_indirect_dma source(%dma_start3A_885 : memref<16384000xf32, #tpu.memory_space<hbm>>) target(%dma_start3A_880 : memref<128xf32, #tpu.memory_space<vmem>>) offsets(%dma_start3A_883 : memref<128xi32, #tpu.memory_space<vmem>>) semaphore(%arg8 : memref<!tpu.dma_semaphore, #tpu.memory_space<semaphore_mem>>)
    %dma_start3A_886 = arith.constant 3 : i32
    %dma_start3A_887 = arith.constant 384 : i32
    %dma_start3A_888 = tpu.memref_slice %arg7[%dma_start3A_887] : memref<512xf32, #tpu.memory_space<vmem>> -> memref<128xf32, #tpu.memory_space<vmem>>
    %dma_start3A_889 = arith.constant 0 : i32
    %dma_start3A_890 = tpu.memref_slice %arg6[%dma_start3A_886, %dma_start3A_889] : memref<4x128xi32, #tpu.memory_space<vmem>> -> memref<1x128xi32, #tpu.memory_space<vmem>>
    %dma_start3A_891 = tpu.memref_squeeze %dma_start3A_890 : memref<1x128xi32, #tpu.memory_space<vmem>> -> memref<128xi32, #tpu.memory_space<vmem>>
    %dma_start3A_892 = arith.constant 0 : i32
    %dma_start3A_893 = tpu.memref_slice %arg3[%dma_start3A_892] : memref<16384000xf32, #tpu.memory_space<hbm>> -> memref<16384000xf32, #tpu.memory_space<hbm>>
    tpu.enqueue_indirect_dma source(%dma_start3A_893 : memref<16384000xf32, #tpu.memory_space<hbm>>) target(%dma_start3A_888 : memref<128xf32, #tpu.memory_space<vmem>>) offsets(%dma_start3A_891 : memref<128xi32, #tpu.memory_space<vmem>>) semaphore(%arg8 : memref<!tpu.dma_semaphore, #tpu.memory_space<semaphore_mem>>)
    %dma_wait3A = arith.constant 0 : i32
    %dma_wait3A_894 = arith.constant 0 : i32
    %dma_wait3A_895 = tpu.memref_slice %arg7[%dma_wait3A_894] : memref<512xf32, #tpu.memory_space<vmem>> -> memref<128xf32, #tpu.memory_space<vmem>>
    %dma_wait3A_896 = arith.constant 0 : i32
    %dma_wait3A_897 = tpu.memref_slice %arg6[%dma_wait3A, %dma_wait3A_896] : memref<4x128xi32, #tpu.memory_space<vmem>> -> memref<1x128xi32, #tpu.memory_space<vmem>>
    %dma_wait3A_898 = tpu.memref_squeeze %dma_wait3A_897 : memref<1x128xi32, #tpu.memory_space<vmem>> -> memref<128xi32, #tpu.memory_space<vmem>>
    %dma_wait3A_899 = arith.constant 0 : i32
    %dma_wait3A_900 = tpu.memref_slice %arg3[%dma_wait3A_899] : memref<16384000xf32, #tpu.memory_space<hbm>> -> memref<16384000xf32, #tpu.memory_space<hbm>>
    tpu.wait_indirect_dma semaphore(%arg8 : memref<!tpu.dma_semaphore, #tpu.memory_space<semaphore_mem>>) src(%dma_wait3A_900 : memref<16384000xf32, #tpu.memory_space<hbm>>) dst(%dma_wait3A_895 : memref<128xf32, #tpu.memory_space<vmem>>)
    %dma_wait3A_901 = arith.constant 1 : i32
    %dma_wait3A_902 = arith.constant 128 : i32
    %dma_wait3A_903 = tpu.memref_slice %arg7[%dma_wait3A_902] : memref<512xf32, #tpu.memory_space<vmem>> -> memref<128xf32, #tpu.memory_space<vmem>>
    %dma_wait3A_904 = arith.constant 0 : i32
    %dma_wait3A_905 = tpu.memref_slice %arg6[%dma_wait3A_901, %dma_wait3A_904] : memref<4x128xi32, #tpu.memory_space<vmem>> -> memref<1x128xi32, #tpu.memory_space<vmem>>
    %dma_wait3A_906 = tpu.memref_squeeze %dma_wait3A_905 : memref<1x128xi32, #tpu.memory_space<vmem>> -> memref<128xi32, #tpu.memory_space<vmem>>
    %dma_wait3A_907 = arith.constant 0 : i32
    %dma_wait3A_908 = tpu.memref_slice %arg3[%dma_wait3A_907] : memref<16384000xf32, #tpu.memory_space<hbm>> -> memref<16384000xf32, #tpu.memory_space<hbm>>
    tpu.wait_indirect_dma semaphore(%arg8 : memref<!tpu.dma_semaphore, #tpu.memory_space<semaphore_mem>>) src(%dma_wait3A_908 : memref<16384000xf32, #tpu.memory_space<hbm>>) dst(%dma_wait3A_903 : memref<128xf32, #tpu.memory_space<vmem>>)
    %dma_wait3A_909 = arith.constant 2 : i32
    %dma_wait3A_910 = arith.constant 256 : i32
    %dma_wait3A_911 = tpu.memref_slice %arg7[%dma_wait3A_910] : memref<512xf32, #tpu.memory_space<vmem>> -> memref<128xf32, #tpu.memory_space<vmem>>
    %dma_wait3A_912 = arith.constant 0 : i32
    %dma_wait3A_913 = tpu.memref_slice %arg6[%dma_wait3A_909, %dma_wait3A_912] : memref<4x128xi32, #tpu.memory_space<vmem>> -> memref<1x128xi32, #tpu.memory_space<vmem>>
    %dma_wait3A_914 = tpu.memref_squeeze %dma_wait3A_913 : memref<1x128xi32, #tpu.memory_space<vmem>> -> memref<128xi32, #tpu.memory_space<vmem>>
    %dma_wait3A_915 = arith.constant 0 : i32
    %dma_wait3A_916 = tpu.memref_slice %arg3[%dma_wait3A_915] : memref<16384000xf32, #tpu.memory_space<hbm>> -> memref<16384000xf32, #tpu.memory_space<hbm>>
    tpu.wait_indirect_dma semaphore(%arg8 : memref<!tpu.dma_semaphore, #tpu.memory_space<semaphore_mem>>) src(%dma_wait3A_916 : memref<16384000xf32, #tpu.memory_space<hbm>>) dst(%dma_wait3A_911 : memref<128xf32, #tpu.memory_space<vmem>>)
    %dma_wait3A_917 = arith.constant 3 : i32
    %dma_wait3A_918 = arith.constant 384 : i32
    %dma_wait3A_919 = tpu.memref_slice %arg7[%dma_wait3A_918] : memref<512xf32, #tpu.memory_space<vmem>> -> memref<128xf32, #tpu.memory_space<vmem>>
    %dma_wait3A_920 = arith.constant 0 : i32
    %dma_wait3A_921 = tpu.memref_slice %arg6[%dma_wait3A_917, %dma_wait3A_920] : memref<4x128xi32, #tpu.memory_space<vmem>> -> memref<1x128xi32, #tpu.memory_space<vmem>>
    %dma_wait3A_922 = tpu.memref_squeeze %dma_wait3A_921 : memref<1x128xi32, #tpu.memory_space<vmem>> -> memref<128xi32, #tpu.memory_space<vmem>>
    %dma_wait3A_923 = arith.constant 0 : i32
    %dma_wait3A_924 = tpu.memref_slice %arg3[%dma_wait3A_923] : memref<16384000xf32, #tpu.memory_space<hbm>> -> memref<16384000xf32, #tpu.memory_space<hbm>>
    tpu.wait_indirect_dma semaphore(%arg8 : memref<!tpu.dma_semaphore, #tpu.memory_space<semaphore_mem>>) src(%dma_wait3A_924 : memref<16384000xf32, #tpu.memory_space<hbm>>) dst(%dma_wait3A_919 : memref<128xf32, #tpu.memory_space<vmem>>)
    "tpu.region"() ({
      %run_scoped3A = tpu.sem_alloc : memref<!tpu.dma_semaphore, #tpu.memory_space<semaphore_mem>>
      %dma_start3A_925 = tpu.memref_slice %arg4[%mul3A_2] : memref<16384xf32, #tpu.memory_space<hbm>> -> memref<512xf32, #tpu.memory_space<hbm>>
      %dma_start3A_926 = tpu.memref_slice %arg4[%mul3A_2] : memref<16384xf32, #tpu.memory_space<hbm>> -> memref<512xf32, #tpu.memory_space<hbm>>
      tpu.enqueue_dma source(%arg7 : memref<512xf32, #tpu.memory_space<vmem>>) target(%dma_start3A_926 : memref<512xf32, #tpu.memory_space<hbm>>) target_semaphore(%run_scoped3A : memref<!tpu.dma_semaphore, #tpu.memory_space<semaphore_mem>>)
      %dma_wait3A_927 = tpu.memref_slice %arg4[%mul3A_2] : memref<16384xf32, #tpu.memory_space<hbm>> -> memref<512xf32, #tpu.memory_space<hbm>>
      %dma_wait3A_928 = tpu.memref_slice %arg4[%mul3A_2] : memref<16384xf32, #tpu.memory_space<hbm>> -> memref<512xf32, #tpu.memory_space<hbm>>
      tpu.wait_dma2 semaphore(%run_scoped3A : memref<!tpu.dma_semaphore, #tpu.memory_space<semaphore_mem>>) src(%arg7 : memref<512xf32, #tpu.memory_space<vmem>>) dst(%dma_wait3A_928 : memref<512xf32, #tpu.memory_space<hbm>>)
      tpu.yield
    }) : () -> ()
    return
  }
}

</mosaic_0001>

<sc_bundles>
// kernel: kernel.3.cloned.1.call-start
scs
__scs_entry_jumppad:
0x0: {  	(pc) =	sbr.rel $0x88, $3  }
0x1: {  	(tag) =	ssettag $0x0;
	lr =	simm.s32 $0x1  }
0x2: {  	[smem:$0x3F9F] =	sst lr;
	_ =	strace $0xD0000000  }
0x3: {  	_ = 	snop  }
0x4: {  	_ = 	snop  }
0x5: {  	_ = 	snop  }
0x6: {  	_ = 	snop  }
0x7: {  	_ = 	snop  }
__scs_overlays_trampoline_lowered:
0x8: {  	[smem:$0x3FAE] =	sst s0  }
0x9: {  	[smem:$0x3FAF] =	sst s1  }
0xa: {  	[smem:$0x3FB0] =	sst s2  }
0xb: {  	[smem:$0x3FB1] =	sst s3  }
0xc: {  	[smem:$0x3FB2] =	sst s4  }
0xd: {  	[smem:$0x3FB3] =	sst s5  }
0xe: {  	[smem:$0x3FB4] =	sst s6  }
0xf: {  	[smem:$0x3FB5] =	sst s7  }
0x10: {  	[smem:$0x3FB6] =	sst s8  }
0x11: {  	[smem:$0x3FB7] =	sst s9;
	s0 =	simm.s32 @!p0 $0x0  }
0x12: {  	s1 =	sld [smem:$0x3F9D];
	s0 =	simm.s32 @p0 $0x1  }
0x13: {  	[smem:$0x3FB8] =	sst s0;
	s0 =	simm.s32 @!p1 $0x0  }
0x14: {  	s2 =	sld [smem:$0x3F9C];
	s0 =	simm.s32 @p1 $0x1  }
0x15: {  	[smem:$0x3FB9] =	sst s0;
	s0 =	simm.s32 @!p2 $0x0  }
0x16: {  	s3 =	sld [smem:$0x3FDB];
	s0 =	simm.s32 @p2 $0x1  }
0x17: {  	s4 =	simm.s32 $0x1BF5;
	[smem:$0x3FBB] =	sst s0  }
0x18: {  	s0 =	sld [smem:$0x3F9E];
	_ =	swait.ge [sflag:s4], $0x0  }
0x19: {  	s7 =	sld [smem:$0x3F9F]  }
0x1a: {  	s8 =	sadd.s32 $0xFFFFE003, lr  }
0x1b: {  	s9 =	sadd.s32 $0xFFFFFEF7, lr;
	s5 =	simm.s32 $0xFFFFFFFF;
	p2 =	slt.u32 s8, $0xFFFFF086  }
0x1c: {  	p1 =	slt.u32 s9, $0xF7A;
	s5 =	simm.s32 @!p2 $0x0  }
0x1d: {  	s5 =	simm.s32 @p1 $0x1;
	p0 =	seq.s32 s7, s2  }
0x1e: {  	s7 =	smul.u32 @!p0 $0xF7A, s2;
	p2 =	seq.s32 @!p0 s5, $0x0  }
0x1f: {  	s9 =	smul.u32 $0xF7A, s1;
	s8 =	simm.s32 @!p0 $0x1BF5;
	p2 =	por !p2, p0  }
0x20: {  	[sflag:s8] =	ssyncset.s32 @!p0 $0xFFFFF086;
	s6 =	sadd.s32 @!p0 s3, s7;
	s7 =	simm.s32 @!p0 $0x108  }
0x21: {  	s3 =	sadd.s32 s3, s9;
	s6 =	sadd.s32 @!p0 $0x88, s6;
	s7 =	simm.s32 @p2 $0x1082  }
0x22: {  	[simem:s7], [sflag:s8] =	dma.local @!p0 [hbm:s6], $0xF7A  }
0x23: {  	s9 =	sor.u32 $0xD0000000, s2;
	s6 =	simm.s32 $0x108;
	_ =	swait.ge @!p0 [sflag:s8], $0x0  }
0x24: {  	s3 =	sadd.s32 $0x88, s3;
	s6 =	simm.s32 @!p1 $0x1082;
	[sflag:s4] =	ssyncset.s32 $0xFFFFF086  }
0x25: {  	[simem:s6], [sflag:s4] =	dma.local [hbm:s3], $0xF7A  }
0x26: {  	[smem:$0x3F9F] =	sst s1;
	(tag) =	ssettag s2;
	_ =	strace s9  }
0x27: {  	s1 =	sld [smem:$0x3FAF]  }
0x28: {  	s2 =	sld [smem:$0x3FB0]  }
0x29: {  	s4 =	sld [smem:$0x3FB2]  }
0x2a: {  	p0 =	seq.s32 s5, $0x0;
	s5 =	sld [smem:$0x3FB3]  }
0x2b: {  	s6 =	sld [smem:$0x3FB4]  }
0x2c: {  	s7 =	sld [smem:$0x3FB5]  }
0x2d: {  	s3 =	simm.s32 $0x108;
	s8 =	sld [smem:$0x3FB6]  }
0x2e: {  	s3 =	simm.s32 @!p0 $0x1082;
	s9 =	sld [smem:$0x3FB7]  }
0x2f: {  	lr =	sadd.s32 s0, s3;
	s0 =	sld [smem:$0x3FAE]  }
0x30: {  	s3 =	sld [smem:$0x3FB1]  }
0x31: {  	[smem:$0x3FBA] =	sst s10  }
0x32: {  	s10 =	sld [smem:$0x3FB8];
	_ =	sdelay $0x3  }
0x33: {  	p0 =	seq.s32 s10, $0x1;
	s10 =	sld [smem:$0x3FBA];
	_ =	sdelay $0x3  }
0x34: {  	[smem:$0x3FBA] =	sst s10  }
0x35: {  	s10 =	sld [smem:$0x3FB9];
	_ =	sdelay $0x3  }
0x36: {  	p1 =	seq.s32 s10, $0x1;
	s10 =	sld [smem:$0x3FBA];
	_ =	sdelay $0x3  }
0x37: {  	[smem:$0x3FBA] =	sst s10  }
0x38: {  	s10 =	sld [smem:$0x3FBB]  }
0x39: {  	_ = 	snop;
	(pc) =	sbr.ind lr, $3  }
0x3a: {  	_ = 	snop  }
0x3b: {  	_ = 	snop  }
0x3c: {  	p2 =	seq.s32 s10, $0x1;
	s10 =	sld [smem:$0x3FBA]  }
0x3d: {  	_ =	shalt  }
0x3e: {  	_ =	shalt  }
0x3f: {  	_ =	shalt  }
0x40: {  	_ =	shalt  }
0x41: {  	_ =	shalt  }
0x42: {  	_ =	shalt  }
0x43: {  	_ =	shalt  }
0x44: {  	_ =	shalt  }
0x45: {  	_ =	shalt  }
0x46: {  	_ =	shalt  }
0x47: {  	_ =	shalt  }
0x48: {  	_ =	shalt  }
0x49: {  	_ =	shalt  }
0x4a: {  	_ =	shalt  }
0x4b: {  	_ =	shalt  }
0x4c: {  	_ =	shalt  }
0x4d: {  	_ =	shalt  }
0x4e: {  	_ =	shalt  }
0x4f: {  	_ =	shalt  }
0x50: {  	_ =	shalt  }
0x51: {  	_ =	shalt  }
0x52: {  	_ =	shalt  }
0x53: {  	_ =	shalt  }
0x54: {  	_ =	shalt  }
0x55: {  	_ =	shalt  }
0x56: {  	_ =	shalt  }
0x57: {  	_ =	shalt  }
0x58: {  	_ =	shalt  }
0x59: {  	_ =	shalt  }
0x5a: {  	_ =	shalt  }
0x5b: {  	_ =	shalt  }
0x5c: {  	_ =	shalt  }
0x5d: {  	_ =	shalt  }
0x5e: {  	_ =	shalt  }
0x5f: {  	_ =	shalt  }
0x60: {  	_ =	shalt  }
0x61: {  	_ =	shalt  }
0x62: {  	_ =	shalt  }
0x63: {  	_ =	shalt  }
0x64: {  	_ =	shalt  }
0x65: {  	_ =	shalt  }
0x66: {  	_ =	shalt  }
0x67: {  	_ =	shalt  }
0x68: {  	_ =	shalt  }
0x69: {  	_ =	shalt  }
0x6a: {  	_ =	shalt  }
0x6b: {  	_ =	shalt  }
0x6c: {  	_ =	shalt  }
0x6d: {  	_ =	shalt  }
0x6e: {  	_ =	shalt  }
0x6f: {  	_ =	shalt  }
0x70: {  	_ =	shalt  }
0x71: {  	_ =	shalt  }
0x72: {  	_ =	shalt  }
0x73: {  	_ =	shalt  }
0x74: {  	_ =	shalt  }
0x75: {  	_ =	shalt  }
0x76: {  	_ =	shalt  }
0x77: {  	_ =	shalt  }
0x78: {  	_ =	shalt  }
0x79: {  	_ =	shalt  }
0x7a: {  	_ =	shalt  }
0x7b: {  	_ =	shalt  }
0x7c: {  	_ =	shalt  }
0x7d: {  	_ =	shalt  }
0x7e: {  	_ =	shalt  }
0x7f: {  	_ =	shalt  }
0x80: {  	_ =	shalt  }
0x81: {  	_ =	shalt  }
0x82: {  	_ =	shalt  }
0x83: {  	_ =	shalt  }
0x84: {  	_ =	shalt  }
0x85: {  	_ =	shalt  }
0x86: {  	_ =	shalt  }
0x87: {  	_ =	shalt  }
.Lfunc_end0:
.L_simem_size_0:
called_computation_lowered:
.L_overlay_start_0:
0x88: {  	s2 =	sld [smem:$0x3FD9]  }
0x89: {  	s3 =	sld [smem:$0x3FFE];
	_ =	sdelay $0x1  }
0x8a: {  	s1 =	srdreg.scid  }
0x8b: {  	s0 =	sand.u32 $0x1, s1  }
0x8c: {  	s17 =	sshll.u32 s0, $0xA;
	s2 =	sadd.s32 s3, s2  }
0x8d: {  	s2 =	sadd.s32 s2, s17  }
0x8e: {  	[smem:$0x3FC6] =	sst s2  }
0x8f: {  	_ = 	snop  }
0x90: {  	s2 =	sld [smem:$0x3FC9]  }
0x91: {  	s18 =	sld [smem:$0x3FD0];
	(tm) =	ssettm $0x1  }
0x92: {  	s4 =	sld [smem:$0x3FFB];
	_ =	sdelay $0x3  }
0x93: {  	_ =	strace s4  }
0x94: {  	s4 =	sld [smem:$0x3FFC];
	_ =	sdelay $0x3  }
0x95: {  	_ =	strace s4  }
0x96: {  	s4 =	sld [smem:$0x3FFD];
	_ =	sdelay $0x3  }
0x97: {  	_ =	strace s4  }
0x98: {  	_ =	strace $0x8FFFFFFF  }
0x99: {  	s19 =	sld [smem:$0x3FDB];
	_ =	sdelay $0x1  }
0x9a: {  	s5 =	simm.s32 $_scs_section_size  }
0x9b: {  	s6 =	simm.s32 $_size__tile_overlayer_lowered;
	s7 =	simm.s32 $_tile_overlayer_lowered  }
0x9c: {  	s22 =	simm.s32 $0x1BFF;
	s21 =	sshll.u32 s7, $0x1;
	s4 =	sadd.s32 s5, s19  }
0x9d: {  	s8 =	simm.s32 $0x0;
	s20 =	sshll.u32 s6, $0x1;
	s6 =	sadd.s32 s21, s4  }
0x9e: {  	[timem:s8], [sflag:s22] =	dma.local [hbm:s6], s20  }
0x9f: {  	_ =	swait.ge [sflag:s22], s20  }
0xa0: {  	s5 =	ssub.s32 $0x0, s20;
	[sflag:s22] =	ssyncset.done $0x0  }
0xa1: {  	[sflag:s22] =	ssyncadd.s32 s5;
	_ =	sdelay $0x1  }
0xa2: {  	s23 =	simm.s32 $0x1B8B  }
0xa3: {  	_ =	swait.ge [sflag:s23], $0x1  }
0xa4: {  	[sflag:s23] =	ssyncset.done $0x0  }
0xa5: {  	s25 =	simm.s32 $0x1B8E;
	s24 =	sld [smem:$0x3FFE];
	[sflag:s23] =	ssyncadd.s32 $0xFFFFFFFF  }
0xa6: {  	s26 =	simm.s32 $execute0_lowered;
	[smem:$0x3FD2] =	sst s25  }
0xa7: {  	s6 =	sshll.u32 s26, $0x1;
	_ =	strace $0x80000046;
	[dreg:$0x1] =	wrdreg $0xFFFFFFFF  }
0xa8: {  	s28 =	simm.s32 $_size_execute0_lowered;
	s4 =	sadd.s32 s4, s6;
	[dreg:$0x0] =	wrdreg $0x0  }
0xa9: {  	s6 =	sshll.u32 s28, $0x1;
	[dreg:$0x2] =	wrdreg s4  }
0xaa: {  	[dreg:$0x3] =	wrdreg s6  }
0xab: {  	[dreg:$0x4] =	wrdreg $0xC0  }
0xac: {  	_ =	task [dreg:s8], $0x5FFFF  }
0xad: {  	[dreg:$0x1] =	wrdreg $0xFFFFFFFF  }
0xae: {  	[dreg:$0x0] =	wrdreg $0x60  }
0xaf: {  	[dreg:$0x2] =	wrdreg s2  }
0xb0: {  	[dreg:$0x3] =	wrdreg s24  }
0xb1: {  	[dreg:$0x4] =	wrdreg s18  }
0xb2: {  	[dreg:$0x5] =	wrdreg $0x9  }
0xb3: {  	_ =	task.clear_ibuf [dreg:s8], $0x6FFFF;
	_ =	strace $0x90000046  }
0xb4: {  	s29 =	simm.s32 $0x9;
	_ =	strace $0x80000048  }
0xb5: {  	_ =	swait.ge [sflag:s29], $0x1  }
0xb6: {  	[sflag:s29] =	ssyncadd.s32 $0xFFFFFFFF  }
0xb7: {  	_ =	strace $0x90000048  }
0xb8: {  	_ =	sfence  }
0xb9: {  	s30 =	sld [smem:$0x0];
	_ =	sdelay $0x2  }
0xba: {  	s31 =	sshll.u32 s1, $0xD;
	s1 =	sshrl.u32 s1, $0x2  }
0xbb: {  	s3 =	sand.u32 $0x4000, s31;
	s1 =	sadd.s32 s1, s30  }
0xbc: {  	s0 =	sor.u32 s3, s0;
	s1 =	sshll.u32 s1, $0x11  }
0xbd: {  	s0 =	sor.u32 s1, s0  }
0xbe: {  	s0 =	sadd.s32 $0x8F2B, s0  }
0xbf: {  	[sflag:s0] =	ssyncadd.remote.s32 $0x1  }
0xc0: {  	_ =	sfence.sel $0xFFFF  }
0xc1: {  	[dreg:$0x0] =	wrdreg $0xFFFFFFFF;
	(pc) =	sbr.abs _section_cstart, $3  }
0xc2: {  	[dreg:$0x1] =	wrdreg $0xFFFFFFFF  }
0xc3: {  	_ =	task.clear_ibuf [dreg:s8], $0x2FFFF;
	_ =	strace $0x9FFFFFFF  }
0xc4: {  	(tm) =	ssettm $0x7FFFFFFF  }
0xc5: {  	_ =	shalt  }
tec
execute0_lowered:
.L_overlay_start_1:
0x0: {  	(tag) =	ssettag $0x1  }
0x1: {  	s1 =	srdreg.scid  }
0x2: {  	s0 =	stileid.u32;
	s5 =	sand.u32 $0x1, s1  }
0x3: {  	s30 =	sshll.u32 s0, $0xA;
	s2 =	sshll.u32 s5, $0x9  }
0x4: {  	v4 =	vlaneseq.u32;
	s7 =	sor.u32 s2, s30  }
0x5: {  	v22 =	vmul.u32 $0x3E8, v4;
	v0 =	vmov s7;
	s1 =	sor.u32 $0x10, s7;
	s31 =	sor.u32 $0x20, s7  }
0x6: {  	s2 =	sor.u32 $0x30, s7;
	s9 =	sor.u32 $0x90, s7;
	v0 =	vmul.u32 $0x3E8, v0;
	v1 =	vmov s1;
	v2 =	vmov s31  }
0x7: {  	v3 =	vmov s2;
	v5 =	vmov s9;
	v1 =	vmul.u32 $0x3E8, v1  }
0x8: {  	s13 =	sor.u32 $0xD0, s7;
	s2 =	sor.u32 $0x40, s7;
	v2 =	vmul.u32 $0x3E8, v2;
	v3 =	vmul.u32 $0x3E8, v3;
	v0 =	vbroadcast v0, $0x0  }
0x9: {  	v8 =	vmov s13;
	v4 =	vmov s2;
	v1 =	vbroadcast v1, $0x0  }
0xa: {  	s8 =	sor.u32 $0x80, s7;
	v2 =	vbroadcast v2, $0x0;
	v3 =	vbroadcast v3, $0x0;
	v6 =	vadd.s32 v22, v0  }
0xb: {  	s3 =	sor.u32 $0x50, s7;
	v0 =	vmul.u32 $0x3E8, v4;
	v4 =	vmov s8;
	v10 =	vadd.s32 v22, v1  }
0xc: {  	s4 =	sor.u32 $0x60, s7;
	s6 =	sor.u32 $0x70, s7;
	v11 =	vadd.s32 v22, v2;
	v12 =	vadd.s32 v22, v3;
	v1 =	vmov s3  }
0xd: {  	v2 =	vmov s4;
	v3 =	vmov s6;
	v1 =	vmul.u32 $0x3E8, v1  }
0xe: {  	v0 =	vbroadcast v0, $0x0;
	v2 =	vmul.u32 $0x3E8, v2;
	v3 =	vmul.u32 $0x3E8, v3  }
0xf: {  	v5 =	vmul.u32 $0x3E8, v5;
	v4 =	vmul.u32 $0x3E8, v4;
	v1 =	vbroadcast v1, $0x0  }
0x10: {  	v2 =	vbroadcast v2, $0x0;
	v7 =	vadd.s32 v22, v0;
	v0 =	vbroadcast v3, $0x0  }
0x11: {  	v8 =	vmul.u32 $0x3E8, v8;
	v3 =	vbroadcast v4, $0x0;
	v4 =	vadd.s32 v22, v1  }
0x12: {  	s10 =	sor.u32 $0xA0, s7;
	s12 =	sor.u32 $0xC0, s7;
	v15 =	vadd.s32 v22, v2;
	v2 =	vbroadcast v5, $0x0;
	v1 =	vadd.s32 v22, v0  }
0x13: {  	s11 =	sor.u32 $0xB0, s7;
	v20 =	vadd.s32 v22, v3;
	v3 =	vmov s10;
	v5 =	vmov s12  }
0x14: {  	s14 =	sor.u32 $0xE0, s7;
	v0 =	vadd.s32 v22, v2;
	v2 =	vmul.u32 $0x3E8, v3;
	v3 =	vmov s11  }
0x15: {  	v9 =	vmov s14;
	v5 =	vmul.u32 $0x3E8, v5;
	v3 =	vmul.u32 $0x3E8, v3  }
0x16: {  	s15 =	sor.u32 $0xF0, s7;
	v9 =	vmul.u32 $0x3E8, v9;
	v8 =	vbroadcast v8, $0x0;
	v2 =	vbroadcast v2, $0x0  }
0x17: {  	v13 =	vmov s15;
	v5 =	vbroadcast v5, $0x0;
	v3 =	vbroadcast v3, $0x0  }
0x18: {  	s16 =	sor.u32 $0x100, s7;
	v27 =	vadd.s32 v22, v2;
	v2 =	vbroadcast v9, $0x0;
	v9 =	vmul.u32 $0x3E8, v13  }
0x19: {  	v18 =	vadd.s32 v22, v3;
	v3 =	vadd.s32 v22, v5;
	v5 =	vmov s16  }
0x1a: {  	s17 =	sor.u32 $0x110, s7;
	s19 =	sor.u32 $0x130, s7;
	v29 =	vadd.s32 v22, v2;
	v2 =	vbroadcast v9, $0x0;
	v5 =	vmul.u32 $0x3E8, v5  }
0x1b: {  	s18 =	sor.u32 $0x120, s7;
	s1 =	rddreg [dreg:$0x3];
	s2 =	simm.s32 $0x0;
	v21 =	vadd.s32 v22, v8;
	v8 =	vmov s17;
	v13 =	vmov s19  }
0x1c: {  	s22 =	sor.u32 $0x180, s7;
	s24 =	sor.u32 $0x1A0, s7;
	[smem:$0x7FF] =	sst s2;
	v28 =	vadd.s32 v22, v2;
	v2 =	vbroadcast v5, $0x0;
	v5 =	vmul.u32 $0x3E8, v13  }
0x1d: {  	s20 =	sor.u32 $0x140, s7;
	s28 =	sor.u32 $0x1D0, s7;
	v17 =	vmov s22;
	v26 =	vmov s24;
	s8 =	rddreg [dreg:$0x2];
	v8 =	vmul.u32 $0x3E8, v8  }
0x1e: {  	s21 =	sor.u32 $0x150, s7;
	s29 =	sor.u32 $0x1E0, s7;
	v33 =	vmov s28;
	s3 =	rddreg [dreg:$0x0];
	v9 =	vmov s18;
	v14 =	vbroadcast v5, $0x0  }
0x1f: {  	s9 =	sshrl.u32 s7, $0x3;
	v34 =	vmov s29;
	s6 =	rddreg [dreg:$0x1];
	s4 =	sor.u32 $0x160, s7;
	v8 =	vbroadcast v8, $0x0;
	v9 =	vmul.u32 $0x3E8, v9  }
0x20: {  	_ =	strace $0x80000047;
	v13 =	vmov s20;
	v23 =	vadd.s32 v22, v14;
	v14 =	vmov s4;
	s4 =	sadd.s32 s3, s9;
	s3 =	simm.s32 $0x2  }
0x21: {  	v9 =	vbroadcast v9, $0x0;
	v16 =	vmul.u32 $0x3E8, v13;
	v13 =	vmov s21;
	[tilespmem:s2], [sflag:$0x2] =	stream.linear.gather [hbm4b:s4+s2], $0x200, $0x38;
	[tilespmem:$0x600] =	vst v63  }
0x22: {  	v34 =	vmul.u32 $0x3E8, v34;
	s10 =	sor.u32 $0x170, s7;
	v5 =	vadd.s32 v22, v8;
	v8 =	vmul.u32 $0x3E8, v13;
	_ =	swait.ge [sflag:s3], $0x200  }
0x23: {  	s23 =	sor.u32 $0x190, s7;
	s25 =	sor.u32 $0x1B0, s7;
	v13 =	vadd.s32 v22, v9;
	v9 =	vbroadcast v16, $0x0;
	v16 =	vmov s10;
	[sflag:s3] =	ssyncset.done $0x0  }
0x24: {  	s26 =	sor.u32 $0x1C0, s7;
	v34 =	vbroadcast v34, $0x0;
	s7 =	sor.u32 $0x1F0, s7;
	v16 =	vmul.u32 $0x3E8, v16;
	v14 =	vmul.u32 $0x3E8, v14;
	[sflag:s3] =	ssyncadd.s32 $0xFFFFFE00  }
0x25: {  	v35 =	vmov s7;
	v25 =	vadd.s32 v22, v9;
	v9 =	vmul.u32 $0x3E8, v17;
	v30 =	vld [tilespmem:$0x1F0]  }
0x26: {  	v17 =	vmov s23;
	v16 =	vbroadcast v16, $0x0;
	v14 =	vbroadcast v14, $0x0;
	v32 =	vld [tilespmem:$0xE0]  }
0x27: {  	v35 =	vmul.u32 $0x3E8, v35;
	v24 =	vmul.u32 $0x3E8, v17;
	v19 =	vbroadcast v9, $0x0;
	v50 =	vld [tilespmem:$0x30]  }
0x28: {  	v17 =	vadd.s32 v22, v16;
	v16 =	vmul.u32 $0x3E8, v26;
	v9 =	vadd.s32 v22, v14;
	v36 =	vld [tilespmem:$0x10]  }
0x29: {  	v14 =	vadd.s32 v22, v19;
	v19 =	vbroadcast v24, $0x0;
	v24 =	vmov s25;
	v37 =	vld [tilespmem:$0x0]  }
0x2a: {  	v26 =	vmov s26;
	v39 =	vld [tilespmem:$0x1D0];
	v16 =	vbroadcast v16, $0x0;
	v31 =	vmul.u32 $0x3E8, v24  }
0x2b: {  	v35 =	vbroadcast v35, $0x0;
	v40 =	vld [tilespmem:$0x20];
	v24 =	vadd.s32 v22, v19;
	v19 =	vmul.u32 $0x3E8, v26  }
0x2c: {  	v53 =	vld [tilespmem:$0x1E0];
	v26 =	vadd.s32 v22, v16;
	v16 =	vbroadcast v31, $0x0;
	v31 =	vmul.u32 $0x3E8, v33  }
0x2d: {  	v8 =	vbroadcast v8, $0x0;
	v41 =	vld [tilespmem:$0x150];
	v19 =	vbroadcast v19, $0x0  }
0x2e: {  	v31 =	vbroadcast v31, $0x0;
	v38 =	vmul.f32 $9.990000000e+02, v30  }
0x2f: {  	v2 =	vadd.s32 v22, v2;
	v32 =	vmul.f32 $9.990000000e+02, v32;
	v52 =	vmul.f32 $9.990000000e+02, v36  }
0x30: {  	v8 =	vadd.s32 v22, v8;
	v42 =	vld [tilespmem:$0x50];
	v37 =	vmul.f32 $9.990000000e+02, v37;
	v33 =	vmul.f32 $9.990000000e+02, v50  }
0x31: {  	v44 =	vld [tilespmem:$0xA0];
	v16 =	vadd.s32 v22, v16;
	v39 =	vmul.f32 $9.990000000e+02, v39;
	v40 =	vmul.f32 $9.990000000e+02, v40  }
0x32: {  	v59 =	vld [tilespmem:$0x140];
	v36 =	vmul.f32 $9.990000000e+02, v53;
	v58 =	vmul.f32 $9.990000000e+02, v41;
	v19 =	vadd.s32 v22, v19  }
0x33: {  	v30 =	vadd.s32 v22, v31;
	v38 =	vadd.f32 $8.388608000e+06, v38;
	v32 =	vadd.f32 $8.388608000e+06, v32  }
0x34: {  	v57 =	vld [tilespmem:$0x90];
	v31 =	vadd.s32 v22, v34;
	v22 =	vadd.s32 v22, v35;
	v35 =	vadd.f32 $8.388608000e+06, v52  }
0x35: {  	v51 =	vld [tilespmem:$0x60];
	v42 =	vmul.f32 $9.990000000e+02, v42;
	v37 =	vadd.f32 $8.388608000e+06, v37;
	v56 =	vadd.f32 $8.388608000e+06, v40  }
0x36: {  	v49 =	vld [tilespmem:$0x130];
	v44 =	vmul.f32 $9.990000000e+02, v44;
	v33 =	vadd.f32 $8.388608000e+06, v33;
	v40 =	vadd.f32 $8.388608000e+06, v58  }
0x37: {  	v41 =	vmul.f32 $9.990000000e+02, v59;
	v60 =	vadd.f32 $8.388608000e+06, v42;
	v39 =	vadd.f32 $8.388608000e+06, v39  }
0x38: {  	v61 =	vadd.f32 $8.388608000e+06, v44;
	v36 =	vadd.f32 $8.388608000e+06, v36  }
0x39: {  	v47 =	vld [tilespmem:$0x40];
	v50 =	vmul.f32 $9.990000000e+02, v57;
	v41 =	vadd.f32 $8.388608000e+06, v41;
	v38 =	vadd.f32 $-8.388608000e+06, v38  }
0x3a: {  	v63 =	vld [tilespmem:$0xF0];
	v34 =	vmul.f32 $9.990000000e+02, v51;
	v32 =	vadd.f32 $-8.388608000e+06, v32;
	v35 =	vadd.f32 $-8.388608000e+06, v35  }
0x3b: {  	v44 =	vmul.f32 $9.990000000e+02, v49;
	v45 =	vadd.f32 $-8.388608000e+06, v37;
	v33 =	vadd.f32 $-8.388608000e+06, v33  }
0x3c: {  	v55 =	vld [tilespmem:$0x80];
	v37 =	vadd.f32 $-8.388608000e+06, v56;
	v43 =	vtrunc.f32 v32;
	v32 =	vtrunc.f32 v38  }
0x3d: {  	v36 =	vadd.f32 $-8.388608000e+06, v36;
	v35 =	vtrunc.f32 v35;
	v48 =	vtrunc.f32 v33  }
0x3e: {  	v34 =	vadd.f32 $8.388608000e+06, v34;
	v37 =	vtrunc.f32 v37;
	v38 =	vmul.f32 $9.990000000e+02, v47  }
0x3f: {  	v51 =	vld [tilespmem:$0x120];
	v39 =	vadd.f32 $-8.388608000e+06, v39;
	v57 =	vtrunc.f32 v36;
	v47 =	vmul.f32 $9.990000000e+02, v63  }
0x40: {  	v42 =	vadd.f32 $-8.388608000e+06, v61;
	v45 =	vtrunc.f32 v45;
	v54 =	vcvt.f32.s32 v43  }
0x41: {  	v62 =	vld [tilespmem:$0x70];
	v58 =	vadd.f32 $-8.388608000e+06, v40;
	v43 =	vmul.f32 $9.990000000e+02, v55;
	v37 =	vcvt.f32.s32 v37  }
0x42: {  	v33 =	vadd.f32 $-8.388608000e+06, v60;
	v52 =	vcvt.f32.s32 v35;
	v59 =	vcvt.f32.s32 v57  }
0x43: {  	v34 =	vadd.f32 $-8.388608000e+06, v34;
	v55 =	vld [tilespmem:$0x110];
	v35 =	vtrunc.f32 v39;
	v61 =	vcvt.f32.s32 v48  }
0x44: {  	v48 =	vld [tilespmem:$0x100];
	v40 =	vmul.f32 $9.990000000e+02, v51;
	v33 =	vtrunc.f32 v33;
	v46 =	vadd.s32 v54, v29  }
0x45: {  	s5 =	ssub.s32 $0x2, s5;
	v51 =	vld [tilespmem:$0xC0];
	v53 =	vadd.s32 v37, v11;
	v54 =	vtrunc.f32 v34;
	v56 =	vadd.f32 $8.388608000e+06, v43  }
0x46: {  	s30 =	sshrl.u32 s5, $0x1;
	v49 =	vld [tilespmem:$0xD0];
	v37 =	vmul.f32 $9.990000000e+02, v62;
	v34 =	vtrunc.f32 v58;
	v62 =	vadd.f32 $8.388608000e+06, v50  }
0x47: {  	s31 =	ssub.s32 s5, s30;
	v60 =	vadd.f32 $-8.388608000e+06, v56;
	v56 =	vadd.s32 v59, v31;
	v59 =	vtrunc.f32 v42  }
0x48: {  	s17 =	smax.u32 s31, $0x1;
	v57 =	vadd.s32 v61, v12;
	v42 =	vcvt.f32.s32 v54;
	v63 =	vmul.f32 $9.990000000e+02, v55;
	v55 =	vld [tilespmem:$0xB0]  }
0x49: {  	p0 =	sne.s32 s17, $0x1;
	[tilespmem:$0x2E0] =	vst v46;
	v43 =	vadd.f32 $-8.388608000e+06, v62;
	v61 =	vcvt.f32.s32 v59;
	v46 =	vmul.f32 $9.990000000e+02, v48  }
.Ltmp0:
0x4a: {  	s14 =	simm.s32 $0x500;
	[tilespmem:$0x220] =	vst v53;
	v62 =	vadd.f32 $8.388608000e+06, v47;
	v47 =	vmul.f32 $9.990000000e+02, v51;
	v39 =	vtrunc.f32 v60;
	(pc) =	sbr.rel @!p0 .LBB2_2-.Ltmp0, $4  }
0x4b: {  	s15 =	simm.s32 $0x380;
	s13 =	simm.s32 $0x1;
	s5 =	sadd.s32 s8, s9;
	v41 =	vadd.f32 $-8.388608000e+06, v41;
	[tilespmem:$0x230] =	vst v57;
	v60 =	vmul.f32 $9.990000000e+02, v49;
	v58 =	vcvt.f32.s32 v39  }
0x4c: {  	s8 =	simm.s32 $0x80;
	s17 =	sadd.s32 $0xFFFFFFFF, s17;
	s12 =	simm.s32 $0x300;
	[tilespmem:$0x3E0] =	vst v56;
	v50 =	vadd.f32 $-8.388608000e+06, v62;
	v36 =	vadd.f32 $8.388608000e+06, v63;
	v63 =	vadd.s32 v61, v27  }
0x4d: {  	s7 =	sadd.s32 $0x200400, s6;
	s6 =	simm.s32 $0x400;
	s11 =	simm.s32 $0x480;
	v39 =	vadd.f32 $8.388608000e+06, v44;
	[tilespmem:$0x2A0] =	vst v63;
	v58 =	vadd.s32 v58, v20;
	v49 =	vmul.f32 $9.990000000e+02, v55  }
0x4e: {  	s16 =	simm.s32 $0x580;
	s10 =	simm.s32 $0x280;
	s9 =	simm.s32 $0x200;
	v44 =	vcvt.f32.s32 v45;
	v45 =	vadd.s32 v52, v10;
	v48 =	vadd.f32 $8.388608000e+06, v60;
	[tilespmem:$0x280] =	vst v58  }
.LBB2_1:
0x4f: {  	p0 =	sne.s32 s17, $0x1;
	s17 =	sadd.s32 $0xFFFFFFFF, s17;
	[tilespmem:$0x210] =	vst v45;
	v43 =	vtrunc.f32 v43;
	v45 =	vadd.f32 $8.388608000e+06, v49;
	v46 =	vadd.f32 $8.388608000e+06, v46  }
0x50: {  	v38 =	vadd.f32 $8.388608000e+06, v38;
	v47 =	vadd.f32 $8.388608000e+06, v47;
	v49 =	vtrunc.f32 v50  }
0x51: {  	v48 =	vadd.f32 $-8.388608000e+06, v48;
	v45 =	vadd.f32 $-8.388608000e+06, v45;
	v49 =	vcvt.f32.s32 v49;
	v50 =	vld [tilespmem:$0x1A0]  }
0x52: {  	v42 =	vadd.s32 v42, v15;
	v38 =	vadd.f32 $-8.388608000e+06, v38;
	v47 =	vadd.f32 $-8.388608000e+06, v47;
	v51 =	vld [tilespmem:$0x190]  }
0x53: {  	[tilespmem:$0x260] =	vst v42;
	v42 =	vtrunc.f32 v45;
	v45 =	vtrunc.f32 v48;
	v48 =	vadd.s32 v49, v28;
	v49 =	vld [tilespmem:$0x180]  }
0x54: {  	v44 =	vadd.s32 v44, v6;
	v46 =	vadd.f32 $-8.388608000e+06, v46;
	v45 =	vcvt.f32.s32 v45;
	[tilespmem:$0x2F0] =	vst v48;
	v48 =	vld [tilespmem:$0x170]  }
0x55: {  	v40 =	vadd.f32 $8.388608000e+06, v40;
	v38 =	vtrunc.f32 v38;
	v42 =	vcvt.f32.s32 v42;
	[tilespmem:$0x200] =	vst v44;
	v44 =	vld [tilespmem:$0x160]  }
0x56: {  	v38 =	vcvt.f32.s32 v38;
	v45 =	vadd.s32 v45, v21;
	v50 =	vmul.f32 $9.990000000e+02, v50  }
0x57: {  	v40 =	vadd.f32 $-8.388608000e+06, v40;
	v42 =	vadd.s32 v42, v18;
	[tilespmem:$0x2D0] =	vst v45;
	v45 =	vtrunc.f32 v46  }
0x58: {  	v38 =	vadd.s32 v38, v7;
	[tilespmem:$0x2B0] =	vst v42;
	v42 =	vcvt.f32.s32 v45;
	v45 =	vadd.f32 $8.388608000e+06, v50  }
0x59: {  	[tilespmem:$0x240] =	vst v38;
	v38 =	vadd.f32 $-8.388608000e+06, v39;
	v39 =	vtrunc.f32 v41;
	v41 =	vmul.f32 $9.990000000e+02, v51  }
0x5a: {  	v37 =	vadd.f32 $8.388608000e+06, v37;
	v40 =	vtrunc.f32 v40;
	v46 =	vtrunc.f32 v47  }
0x5b: {  	v47 =	vmul.f32 $9.990000000e+02, v49;
	v38 =	vtrunc.f32 v38;
	v41 =	vadd.f32 $8.388608000e+06, v41  }
0x5c: {  	v43 =	vcvt.f32.s32 v43;
	v45 =	vadd.f32 $-8.388608000e+06, v45;
	v38 =	vcvt.f32.s32 v38  }
0x5d: {  	v35 =	vcvt.f32.s32 v35;
	v37 =	vadd.f32 $-8.388608000e+06, v37;
	v41 =	vadd.f32 $-8.388608000e+06, v41  }
0x5e: {  	v48 =	vmul.f32 $9.990000000e+02, v48;
	v47 =	vadd.f32 $8.388608000e+06, v47;
	v38 =	vadd.s32 v38, v23  }
0x5f: {  	v35 =	vadd.s32 v35, v30;
	v39 =	vcvt.f32.s32 v39;
	v44 =	vmul.f32 $9.990000000e+02, v44  }
0x60: {  	v33 =	vcvt.f32.s32 v33;
	v45 =	vtrunc.f32 v45;
	[tilespmem:$0x330] =	vst v38;
	v38 =	vadd.f32 $8.388608000e+06, v48;
	v48 =	vld [tilespmem:$0x1B0]  }
0x61: {  	v37 =	vtrunc.f32 v37;
	v39 =	vadd.s32 v39, v25;
	v44 =	vadd.f32 $8.388608000e+06, v44;
	[tilespmem:$0x3D0] =	vst v35  }
0x62: {  	v34 =	vcvt.f32.s32 v34;
	v33 =	vadd.s32 v33, v4;
	v35 =	vcvt.f32.s32 v37;
	[tilespmem:$0x340] =	vst v39  }
0x63: {  	v37 =	vadd.f32 $-8.388608000e+06, v38;
	[tilespmem:$0x250] =	vst v33;
	v33 =	vadd.f32 $-8.388608000e+06, v36;
	v36 =	vcvt.f32.s32 v40;
	v38 =	vld [tilespmem:$0x1C0]  }
0x64: {  	v39 =	vadd.f32 $-8.388608000e+06, v44;
	v35 =	vadd.s32 v35, v1;
	v40 =	vadd.f32 $-8.388608000e+06, v47  }
0x65: {  	[tilespmem:$0x270] =	vst v35;
	v33 =	vtrunc.f32 v33;
	v35 =	vadd.s32 v36, v13;
	v36 =	vcvt.f32.s32 v45  }
0x66: {  	v41 =	vtrunc.f32 v41;
	v37 =	vtrunc.f32 v37  }
0x67: {  	[tilespmem:$0x320] =	vst v35;
	v35 =	vtrunc.f32 v39;
	v39 =	vcvt.f32.s32 v41  }
0x68: {  	v37 =	vcvt.f32.s32 v37;
	v36 =	vadd.s32 v36, v26;
	v38 =	vmul.f32 $9.990000000e+02, v38  }
0x69: {  	v41 =	vcvt.f32.s32 v46;
	v39 =	vadd.s32 v39, v24;
	[tilespmem:$0x3A0] =	vst v36;
	v36 =	vmul.f32 $9.990000000e+02, v48  }
0x6a: {  	v40 =	vtrunc.f32 v40;
	v37 =	vadd.s32 v37, v17;
	[tilespmem:$0x390] =	vst v39;
	v38 =	vadd.f32 $8.388608000e+06, v38  }
0x6b: {  	v33 =	vcvt.f32.s32 v33;
	v39 =	vadd.s32 v41, v3;
	[tilespmem:$0x370] =	vst v37;
	v37 =	vcvt.f32.s32 v40  }
0x6c: {  	v40 =	vadd.s32 v43, v0;
	v36 =	vadd.f32 $8.388608000e+06, v36;
	[tilespmem:$0x2C0] =	vst v39;
	v38 =	vadd.f32 $-8.388608000e+06, v38  }
0x6d: {  	v34 =	vadd.s32 v34, v8;
	v35 =	vcvt.f32.s32 v35;
	[tilespmem:$0x290] =	vst v40;
	v37 =	vadd.s32 v37, v14  }
0x6e: {  	v39 =	vadd.s32 v42, v2;
	v36 =	vadd.f32 $-8.388608000e+06, v36;
	[tilespmem:$0x380] =	vst v37;
	v37 =	vtrunc.f32 v38  }
0x6f: {  	v32 =	vcvt.f32.s32 v32;
	v33 =	vadd.s32 v33, v5;
	[tilespmem:$0x350] =	vst v34;
	v34 =	vcvt.f32.s32 v37  }
0x70: {  	[tilespmem:$0x310] =	vst v33;
	v33 =	vadd.s32 v35, v9;
	v35 =	vtrunc.f32 v36  }
0x71: {  	v32 =	vadd.s32 v32, v22;
	[tilespmem:$0x360] =	vst v33;
	v33 =	vcvt.f32.s32 v35;
	v34 =	vadd.s32 v34, v19  }
0x72: {  	[tilespmem:$0x3F0] =	vst v32  }
0x73: {  	v32 =	vadd.s32 v33, v16;
	[tilespmem:$0x3C0] =	vst v34  }
0x74: {  	[tilespmem:$0x3B0] =	vst v32  }
0x75: {  	[tilespmem:$0x300] =	vst v39  }
0x76: {  	[tilespmem:s6], [sflag:$0x1] =	stream.indirect.gather [hbm4b:s7+s8], $0x1, s9, s8, $0xb8;
	[tilespmem:$0x600] =	vst v63  }
0x77: {  	_ = 	snop  }
0x78: {  	[tilespmem:s11], [sflag:$0x1] =	stream.indirect.gather [hbm4b:s7+s8], $0x1, s10, s8, $0xb8;
	[tilespmem:$0x600] =	vst v63  }
0x79: {  	_ = 	snop  }
0x7a: {  	[tilespmem:s14], [sflag:$0x1] =	stream.indirect.gather [hbm4b:s7+s8], $0x1, s12, s8, $0xb8;
	[tilespmem:$0x600] =	vst v63  }
0x7b: {  	_ = 	snop  }
0x7c: {  	[tilespmem:s16], [sflag:$0x1] =	stream.indirect.gather [hbm4b:s7+s8], $0x1, s15, s8, $0xb8;
	[tilespmem:$0x600] =	vst v63  }
0x7d: {  	_ =	swait.ge [sflag:s13], $0x80  }
0x7e: {  	[sflag:s13] =	ssyncset.done $0x0  }
0x7f: {  	[sflag:s13] =	ssyncadd.s32 $0xFFFFFF80  }
0x80: {  	_ =	swait.ge [sflag:s13], $0x80  }
0x81: {  	[sflag:s13] =	ssyncset.done $0x0  }
0x82: {  	[sflag:s13] =	ssyncadd.s32 $0xFFFFFF80  }
0x83: {  	_ =	swait.ge [sflag:s13], $0x80  }
0x84: {  	[sflag:s13] =	ssyncset.done $0x0  }
0x85: {  	[sflag:s13] =	ssyncadd.s32 $0xFFFFFF80  }
0x86: {  	_ =	swait.ge [sflag:s13], $0x80  }
0x87: {  	[sflag:s13] =	ssyncset.done $0x0  }
0x88: {  	[sflag:s13] =	ssyncadd.s32 $0xFFFFFF80  }
0x89: {  	[hbm4b:s5+s2] =	stream.linear.scatter [tilespmem:s6], [sflag:$0x2], $0x200, $0x38;
	[tilespmem:$0x600] =	vst v63  }
0x8a: {  	_ =	swait.ge [sflag:s3], $0x200  }
0x8b: {  	[sflag:s3] =	ssyncset.done $0x0  }
0x8c: {  	[sflag:s3] =	ssyncadd.s32 $0xFFFFFE00  }
0x8d: {  	[tilespmem:s2], [sflag:$0x2] =	stream.linear.gather [hbm4b:s4+s2], $0x200, $0x38;
	[tilespmem:$0x600] =	vst v63  }
0x8e: {  	_ =	swait.ge [sflag:s3], $0x200  }
0x8f: {  	[sflag:s3] =	ssyncset.done $0x0  }
0x90: {  	[sflag:s3] =	ssyncadd.s32 $0xFFFFFE00  }
0x91: {  	v32 =	vld [tilespmem:$0x1F0]  }
0x92: {  	v33 =	vld [tilespmem:$0xE0]  }
0x93: {  	v34 =	vld [tilespmem:$0x20]  }
0x94: {  	v35 =	vld [tilespmem:$0x30]  }
0x95: {  	v36 =	vld [tilespmem:$0x10]  }
0x96: {  	v37 =	vld [tilespmem:$0x0];
	v32 =	vmul.f32 $9.990000000e+02, v32  }
0x97: {  	v33 =	vmul.f32 $9.990000000e+02, v33;
	v38 =	vld [tilespmem:$0x1D0]  }
0x98: {  	v39 =	vld [tilespmem:$0x1E0];
	v32 =	vadd.f32 $8.388608000e+06, v32  }
0x99: {  	v40 =	vld [tilespmem:$0x60];
	v33 =	vadd.f32 $8.388608000e+06, v33  }
0x9a: {  	v36 =	vmul.f32 $9.990000000e+02, v36;
	v41 =	vld [tilespmem:$0x50];
	v32 =	vadd.f32 $-8.388608000e+06, v32  }
0x9b: {  	v35 =	vmul.f32 $9.990000000e+02, v35;
	v37 =	vmul.f32 $9.990000000e+02, v37;
	v33 =	vadd.f32 $-8.388608000e+06, v33;
	v42 =	vld [tilespmem:$0x150]  }
0x9c: {  	v36 =	vadd.f32 $8.388608000e+06, v36;
	v43 =	vld [tilespmem:$0xA0];
	v38 =	vmul.f32 $9.990000000e+02, v38;
	v32 =	vtrunc.f32 v32  }
0x9d: {  	v34 =	vmul.f32 $9.990000000e+02, v34;
	v37 =	vadd.f32 $8.388608000e+06, v37;
	v44 =	vld [tilespmem:$0x90];
	v33 =	vtrunc.f32 v33  }
0x9e: {  	v36 =	vadd.f32 $-8.388608000e+06, v36;
	v40 =	vmul.f32 $9.990000000e+02, v40;
	v45 =	vld [tilespmem:$0x80];
	v33 =	vcvt.f32.s32 v33  }
0x9f: {  	v34 =	vadd.f32 $8.388608000e+06, v34;
	v39 =	vmul.f32 $9.990000000e+02, v39;
	v47 =	vadd.f32 $-8.388608000e+06, v37;
	v37 =	vld [tilespmem:$0x70]  }
0xa0: {  	v35 =	vadd.f32 $8.388608000e+06, v35;
	v46 =	vld [tilespmem:$0x40];
	v33 =	vadd.s32 v33, v29;
	v42 =	vmul.f32 $9.990000000e+02, v42  }
0xa1: {  	v34 =	vadd.f32 $-8.388608000e+06, v34;
	v36 =	vtrunc.f32 v36;
	v40 =	vadd.f32 $8.388608000e+06, v40;
	v48 =	vld [tilespmem:$0x140]  }
0xa2: {  	v35 =	vadd.f32 $-8.388608000e+06, v35;
	v41 =	vmul.f32 $9.990000000e+02, v41;
	[tilespmem:$0x2E0] =	vst v33;
	v49 =	vld [tilespmem:$0x130];
	v42 =	vadd.f32 $8.388608000e+06, v42  }
0xa3: {  	v40 =	vadd.f32 $-8.388608000e+06, v40;
	v33 =	vmul.f32 $9.990000000e+02, v43;
	v45 =	vmul.f32 $9.990000000e+02, v45;
	v43 =	vld [tilespmem:$0x120]  }
0xa4: {  	v38 =	vadd.f32 $8.388608000e+06, v38;
	v50 =	vtrunc.f32 v35;
	v35 =	vadd.f32 $8.388608000e+06, v41;
	v41 =	vld [tilespmem:$0x110]  }
0xa5: {  	v34 =	vtrunc.f32 v34;
	v51 =	vadd.f32 $8.388608000e+06, v33;
	v33 =	vadd.f32 $8.388608000e+06, v39;
	v52 =	vld [tilespmem:$0x100]  }
0xa6: {  	v34 =	vcvt.f32.s32 v34;
	v53 =	vadd.f32 $-8.388608000e+06, v38;
	v35 =	vadd.f32 $-8.388608000e+06, v35;
	v39 =	vld [tilespmem:$0xF0]  }
0xa7: {  	v44 =	vmul.f32 $9.990000000e+02, v44;
	v48 =	vmul.f32 $9.990000000e+02, v48;
	v55 =	vadd.f32 $-8.388608000e+06, v33;
	v54 =	vld [tilespmem:$0xD0]  }
0xa8: {  	v56 =	vcvt.f32.s32 v36;
	v38 =	vmul.f32 $9.990000000e+02, v46;
	v33 =	vadd.s32 v34, v11;
	v57 =	vld [tilespmem:$0xC0]  }
0xa9: {  	v36 =	vtrunc.f32 v40;
	v46 =	vadd.f32 $-8.388608000e+06, v51;
	[tilespmem:$0x220] =	vst v33;
	v33 =	vtrunc.f32 v35;
	v51 =	vld [tilespmem:$0xB0]  }
0xaa: {  	v34 =	vadd.f32 $8.388608000e+06, v45;
	v45 =	vadd.f32 $8.388608000e+06, v48;
	v35 =	vtrunc.f32 v55  }
0xab: {  	v37 =	vmul.f32 $9.990000000e+02, v37;
	v40 =	vadd.f32 $-8.388608000e+06, v42;
	v42 =	vcvt.f32.s32 v35  }
0xac: {  	v49 =	vmul.f32 $9.990000000e+02, v49;
	v48 =	vadd.f32 $-8.388608000e+06, v34;
	v35 =	vtrunc.f32 v53  }
0xad: {  	v50 =	vcvt.f32.s32 v50;
	v34 =	vtrunc.f32 v40;
	v42 =	vadd.s32 v42, v31  }
0xae: {  	v44 =	vadd.f32 $8.388608000e+06, v44;
	v40 =	vmul.f32 $9.990000000e+02, v43;
	v53 =	vmul.f32 $9.990000000e+02, v39;
	[tilespmem:$0x3E0] =	vst v42  }
0xaf: {  	v41 =	vmul.f32 $9.990000000e+02, v41;
	v39 =	vadd.s32 v50, v12;
	v42 =	vtrunc.f32 v48  }
0xb0: {  	v46 =	vtrunc.f32 v46;
	v48 =	vcvt.f32.s32 v42;
	[tilespmem:$0x230] =	vst v39  }
0xb1: {  	v43 =	vadd.f32 $-8.388608000e+06, v44;
	v42 =	vcvt.f32.s32 v36;
	v39 =	vadd.f32 $8.388608000e+06, v49  }
.Ltmp1:
0xb2: {  	v36 =	vadd.f32 $8.388608000e+06, v41;
	v44 =	vadd.s32 v48, v20;
	v48 =	vmul.f32 $9.990000000e+02, v54;
	(pc) =	sbr.rel @p0 .LBB2_1-.Ltmp1, $4  }
0xb3: {  	v50 =	vadd.f32 $8.388608000e+06, v53;
	[tilespmem:$0x280] =	vst v44;
	v44 =	vcvt.f32.s32 v46;
	v46 =	vmul.f32 $9.990000000e+02, v52  }
0xb4: {  	v41 =	vadd.f32 $-8.388608000e+06, v45;
	v52 =	vtrunc.f32 v47;
	v47 =	vmul.f32 $9.990000000e+02, v57  }
0xb5: {  	v49 =	vmul.f32 $9.990000000e+02, v51;
	v48 =	vadd.f32 $8.388608000e+06, v48;
	v53 =	vadd.s32 v44, v27  }
0xb6: {  	v45 =	vadd.s32 v56, v10;
	v50 =	vadd.f32 $-8.388608000e+06, v50;
	v44 =	vcvt.f32.s32 v52;
	[tilespmem:$0x2A0] =	vst v53  }
.LBB2_2:
0xb7: {  	v10 =	vadd.f32 $8.388608000e+06, v49;
	v11 =	vadd.f32 $8.388608000e+06, v46  }
0xb8: {  	v12 =	vadd.f32 $8.388608000e+06, v38;
	v20 =	vadd.f32 $8.388608000e+06, v47;
	v15 =	vadd.s32 v42, v15  }
0xb9: {  	v47 =	vtrunc.f32 v43;
	v40 =	vadd.f32 $8.388608000e+06, v40;
	v53 =	vadd.f32 $-8.388608000e+06, v39  }
0xba: {  	v55 =	vtrunc.f32 v41;
	v37 =	vadd.f32 $8.388608000e+06, v37;
	v58 =	vcvt.f32.s32 v35  }
0xbb: {  	v61 =	vcvt.f32.s32 v33;
	v38 =	vadd.f32 $-8.388608000e+06, v36;
	v27 =	vtrunc.f32 v50  }
0xbc: {  	v29 =	vadd.f32 $-8.388608000e+06, v48;
	v57 =	vcvt.f32.s32 v47;
	v59 =	vcvt.f32.s32 v55  }
0xbd: {  	v10 =	vadd.f32 $-8.388608000e+06, v10;
	v27 =	vcvt.f32.s32 v27;
	v12 =	vadd.f32 $-8.388608000e+06, v12  }
0xbe: {  	v31 =	vld [tilespmem:$0x1A0];
	v20 =	vadd.f32 $-8.388608000e+06, v20;
	v46 =	vtrunc.f32 v38;
	v29 =	vtrunc.f32 v29  }
0xbf: {  	v49 =	vld [tilespmem:$0x180];
	v37 =	vadd.f32 $-8.388608000e+06, v37;
	v10 =	vtrunc.f32 v10;
	v29 =	vcvt.f32.s32 v29  }
0xc0: {  	v54 =	vld [tilespmem:$0x160];
	v11 =	vadd.f32 $-8.388608000e+06, v11;
	v12 =	vtrunc.f32 v12;
	v20 =	vtrunc.f32 v20  }
0xc1: {  	v6 =	vadd.s32 v44, v6;
	v63 =	vtrunc.f32 v37;
	v37 =	vcvt.f32.s32 v34  }
0xc2: {  	v48 =	vld [tilespmem:$0x190];
	v4 =	vadd.s32 v61, v4;
	v61 =	vtrunc.f32 v11;
	v10 =	vcvt.f32.s32 v10  }
0xc3: {  	[tilespmem:$0x210] =	vst v45;
	v39 =	vld [tilespmem:$0x1C0];
	v51 =	vadd.f32 $-8.388608000e+06, v40;
	v12 =	vcvt.f32.s32 v12;
	v50 =	vmul.f32 $9.990000000e+02, v31  }
0xc4: {  	[tilespmem:$0x200] =	vst v6;
	v6 =	vadd.s32 v58, v30;
	v31 =	vtrunc.f32 v53;
	v56 =	vmul.f32 $9.990000000e+02, v49  }
0xc5: {  	v52 =	vld [tilespmem:$0x170];
	[tilespmem:$0x260] =	vst v15;
	v0 =	vadd.s32 v57, v0;
	v60 =	vmul.f32 $9.990000000e+02, v54;
	v35 =	vcvt.f32.s32 v63  }
0xc6: {  	v40 =	vld [tilespmem:$0x1B0];
	[tilespmem:$0x3D0] =	vst v6;
	v27 =	vadd.s32 v27, v28;
	v49 =	vcvt.f32.s32 v20;
	v54 =	vcvt.f32.s32 v46  }
0xc7: {  	[tilespmem:$0x250] =	vst v4;
	v21 =	vadd.s32 v29, v21;
	v28 =	vmul.f32 $9.990000000e+02, v48;
	v31 =	vcvt.f32.s32 v31  }
0xc8: {  	[tilespmem:$0x290] =	vst v0;
	v48 =	vmul.f32 $9.990000000e+02, v39;
	v57 =	vadd.s32 v37, v8;
	v10 =	vadd.s32 v10, v18  }
0xc9: {  	[tilespmem:$0x2F0] =	vst v27;
	v7 =	vadd.s32 v12, v7;
	v29 =	vadd.f32 $8.388608000e+06, v50;
	v18 =	vtrunc.f32 v51  }
0xca: {  	v12 =	vmul.f32 $9.990000000e+02, v52;
	[tilespmem:$0x2D0] =	vst v21;
	v15 =	vadd.f32 $8.388608000e+06, v56;
	v21 =	vadd.s32 v59, v25  }
0xcb: {  	v33 =	vadd.f32 $8.388608000e+06, v60;
	v1 =	vadd.s32 v35, v1;
	v50 =	vmul.f32 $9.990000000e+02, v40;
	[tilespmem:$0x350] =	vst v57  }
0xcc: {  	v3 =	vadd.s32 v49, v3;
	v5 =	vadd.s32 v54, v5;
	v28 =	vadd.f32 $8.388608000e+06, v28;
	[tilespmem:$0x2B0] =	vst v10  }
0xcd: {  	v23 =	vadd.s32 v31, v23;
	[tilespmem:$0x240] =	vst v7;
	v29 =	vadd.f32 $-8.388608000e+06, v29;
	v12 =	vadd.f32 $8.388608000e+06, v12  }
0xce: {  	v18 =	vcvt.f32.s32 v18;
	[tilespmem:$0x340] =	vst v21;
	v41 =	vadd.f32 $-8.388608000e+06, v33;
	v42 =	vadd.f32 $-8.388608000e+06, v15  }
0xcf: {  	[tilespmem:$0x270] =	vst v1;
	v53 =	vadd.f32 $8.388608000e+06, v50;
	v28 =	vadd.f32 $-8.388608000e+06, v28;
	v62 =	vtrunc.f32 v29  }
0xd0: {  	[tilespmem:$0x2C0] =	vst v3;
	v44 =	vadd.s32 v18, v13;
	v4 =	vtrunc.f32 v42;
	v52 =	vtrunc.f32 v41  }
0xd1: {  	[tilespmem:$0x310] =	vst v5;
	v12 =	vadd.f32 $-8.388608000e+06, v12;
	v7 =	vcvt.f32.s32 v62;
	v43 =	vtrunc.f32 v28  }
0xd2: {  	[tilespmem:$0x330] =	vst v23;
	v58 =	vadd.f32 $-8.388608000e+06, v53;
	v51 =	vcvt.f32.s32 v4;
	v4 =	vcvt.f32.s32 v52  }
0xd3: {  	[tilespmem:$0x320] =	vst v44;
	v62 =	vcvt.f32.s32 v61;
	v12 =	vtrunc.f32 v12;
	v7 =	vadd.s32 v7, v26  }
0xd4: {  	v47 =	vcvt.f32.s32 v12;
	v12 =	vadd.f32 $8.388608000e+06, v48;
	v56 =	vadd.s32 v51, v14;
	[tilespmem:$0x3A0] =	vst v7  }
0xd5: {  	v45 =	vcvt.f32.s32 v43;
	v4 =	vadd.s32 v4, v9;
	[tilespmem:$0x380] =	vst v56  }
0xd6: {  	v0 =	vtrunc.f32 v58;
	v63 =	vadd.s32 v62, v2;
	[tilespmem:$0x360] =	vst v4;
	v55 =	vadd.f32 $-8.388608000e+06, v12  }
0xd7: {  	v0 =	vcvt.f32.s32 v0;
	v13 =	vadd.s32 v45, v24;
	[tilespmem:$0x300] =	vst v63  }
0xd8: {  	v60 =	vcvt.f32.s32 v32;
	v1 =	vadd.s32 v47, v17;
	[tilespmem:$0x390] =	vst v13;
	v59 =	vtrunc.f32 v55  }
0xd9: {  	v0 =	vadd.s32 v0, v16;
	[tilespmem:$0x370] =	vst v1;
	v3 =	vcvt.f32.s32 v59  }
0xda: {  	v1 =	vadd.s32 v60, v22;
	[tilespmem:$0x3B0] =	vst v0  }
0xdb: {  	[tilespmem:$0x3F0] =	vst v1;
	v3 =	vadd.s32 v3, v19  }
0xdc: {  	[tilespmem:$0x3C0] =	vst v3  }
0xdd: {  	[tilespmem:s6], [sflag:$0x1] =	stream.indirect.gather [hbm4b:s7+s8], $0x1, s9, s8, $0xb8;
	[tilespmem:$0x600] =	vst v63  }
0xde: {  	_ = 	snop  }
0xdf: {  	[tilespmem:s11], [sflag:$0x1] =	stream.indirect.gather [hbm4b:s7+s8], $0x1, s10, s8, $0xb8;
	[tilespmem:$0x600] =	vst v63  }
0xe0: {  	_ = 	snop  }
0xe1: {  	[tilespmem:s14], [sflag:$0x1] =	stream.indirect.gather [hbm4b:s7+s8], $0x1, s12, s8, $0xb8;
	[tilespmem:$0x600] =	vst v63  }
0xe2: {  	_ = 	snop  }
0xe3: {  	[tilespmem:s16], [sflag:$0x1] =	stream.indirect.gather [hbm4b:s7+s8], $0x1, s15, s8, $0xb8;
	[tilespmem:$0x600] =	vst v63  }
0xe4: {  	_ =	swait.ge [sflag:s13], $0x80  }
0xe5: {  	[sflag:s13] =	ssyncset.done $0x0  }
0xe6: {  	[sflag:s13] =	ssyncadd.s32 $0xFFFFFF80  }
0xe7: {  	_ =	swait.ge [sflag:s13], $0x80  }
0xe8: {  	[sflag:s13] =	ssyncset.done $0x0  }
0xe9: {  	[sflag:s13] =	ssyncadd.s32 $0xFFFFFF80  }
0xea: {  	_ =	swait.ge [sflag:s13], $0x80  }
0xeb: {  	[sflag:s13] =	ssyncset.done $0x0  }
0xec: {  	[sflag:s13] =	ssyncadd.s32 $0xFFFFFF80  }
0xed: {  	_ =	swait.ge [sflag:s13], $0x80  }
0xee: {  	[sflag:s13] =	ssyncset.done $0x0  }
0xef: {  	[sflag:s13] =	ssyncadd.s32 $0xFFFFFF80  }
0xf0: {  	[hbm4b:s5+s2] =	stream.linear.scatter [tilespmem:s6], [sflag:$0x2], $0x200, $0x38;
	[tilespmem:$0x600] =	vst v63  }
0xf1: {  	_ =	swait.ge [sflag:s3], $0x200  }
0xf2: {  	[sflag:s3] =	ssyncset.done $0x0  }
0xf3: {  	[sflag:s3] =	ssyncadd.s32 $0xFFFFFE00  }
0xf4: {  	_ =	sfence.sel $0x180000  }
0xf5: {  	[bflag:$0x0] =	sbarrier.arrive $0xFFFF  }
0xf6: {  	p0 =	sne.s32 s0, $0x0;
	_ =	strace $0x90000047  }
0xf7: {  	s0 =	sadd.s32 @!p0 $0x100000, s1;
	[bflag:$0x2] =	sbarrier.arrive $0xFFFF  }
0xf8: {  	[sflag:s0] =	ssyncadd.tile.s32 @!p0 $0x1;
	_ =	shalt  }
.Lfunc_end2:
_tile_overlayer_lowered:
.L_overlay_start_2:
0xf9: {  	(tag) =	ssettag $0x2  }
0xfa: {  	s0 =	rddreg [dreg:$0x0];
	s2 =	stileid.u32  }
0xfb: {  	s1 =	rddreg [dreg:$0x1];
	p0 =	sne.s32 s2, $0x0  }
0xfc: {  	s3 =	rddreg [dreg:$0x2];
	[bflag:$0x3] =	sbarrier.arrive $0xFFFF;
	s2 =	simm.s32 @!p0 $0x1C02  }
0xfd: {  	[timem:s3], [sflag:s2] =	dma.local @!p0 [hbm:s0], s1  }
0xfe: {  	s0 =	simm.s32 @!p0 $0x2  }
0xff: {  	_ =	swait.ge @!p0 [sflag:s0], s1  }
0x100: {  	s1 =	ssub.s32 @!p0 $0x0, s1;
	[sflag:s0] =	ssyncset.done @!p0 $0x0  }
0x101: {  	[sflag:s0] =	ssyncadd.s32 @!p0 s1  }
0x102: {  	[bflag:$0x3] =	sbarrier.arrive $0xFFFF  }
0x103: {  	_ =	shalt  }

</sc_bundles>
